<compile_context>
chip_gen: v7x
topology: tpu7x:2x2x1
jax: 0.10.2.dev20260603
libtpu: 0.0.44.dev20260713+nightly
codegen_flags: <defaults>
</compile_context>

<pallas_src>
import functools

import jax
import jax.numpy as jnp
from jax import lax
from jax.experimental import pallas as pl
from jax.experimental.pallas import tpu as pltpu
from jax.experimental.pallas import tpu_sc as plsc

NUM_CLASSES = 10
FEAT_DIM = 128
TAU = 0.5
P_CUTOFF = 0.5
B_ULB = 16384
B_LB = 4096
NC, NS = 2, 16
NW = NC * NS
ACC_ROWS = 16
CHUNK = 128
ULB_PER_W = B_ULB // NW
LB_PER_W = B_LB // NW
N_CHUNKS = ULB_PER_W // CHUNK + 1


def _prep_body(lT_ref, ohT_ref, llbT_ref, l2T_ref,
               idx_ref, cnt_ref, ohT_o, llbT_o, l2T_o):
    lT = lT_ref[...]
    m = jnp.max(lT, axis=0, keepdims=True)
    e = jnp.exp(lT - m)
    s = jnp.sum(e, axis=0, keepdims=True)
    mask = (1.0 / s) > P_CUTOFF
    row = lax.broadcasted_iota(jnp.int32, lT.shape, 0)
    is_max = lT == m
    amax = jnp.min(jnp.where(is_max, row, NUM_CLASSES), axis=0, keepdims=True)
    idx_ref[...] = jnp.where(mask, amax, NUM_CLASSES)
    oh = jnp.where((row == amax) & mask, 1.0, 0.0)
    ohT = ohT_ref[...]
    cnt_ref[...] = (jnp.sum(oh, axis=1, keepdims=True)
                    + jnp.sum(ohT, axis=1, keepdims=True))
    ohT_o[...] = ohT
    llbT_o[...] = llbT_ref[...]
    l2T_o[...] = l2T_ref[...]


def _sc_scatter_echo_body(weak_hbm, idxu_hbm, lb_hbm, idxl_hbm, hard_hbm,
                          out_hbm, weak_o, hard_o, lb_o,
                          buf, idxv, zbuf, rsems, wsems, isems, ssems, shared):
    cid = lax.axis_index("c")
    sid = lax.axis_index("s")
    wid = cid * NS + sid
    zero = jnp.zeros((16,), jnp.float32)

    @pl.loop(0, ACC_ROWS)
    def _zrow(i):
        for j in range(FEAT_DIM // 16):
            zbuf[i, pl.ds(j * 16, 16)] = zero

    @pl.when(sid == 0)
    def _zero_acc():
        pltpu.sync_copy(zbuf, shared)

    plsc.subcore_barrier()

    ru = wid * ULB_PER_W
    rl = wid * LB_PER_W
    jobs = []
    for j in range(ULB_PER_W // CHUNK):
        jobs.append((weak_hbm.at[pl.ds(ru + j * CHUNK, CHUNK)],
                     weak_o.at[pl.ds(ru + j * CHUNK, CHUNK)],
                     idxu_hbm.at[pl.ds(ru + j * CHUNK, CHUNK)]))
        jobs.append((hard_hbm.at[pl.ds(ru + j * CHUNK, CHUNK)],
                     hard_o.at[pl.ds(ru + j * CHUNK, CHUNK)], None))
    jobs.append((lb_hbm.at[pl.ds(rl, CHUNK)], lb_o.at[pl.ds(rl, CHUNK)],
                 idxl_hbm.at[pl.ds(rl, CHUNK)]))
    n = len(jobs)

    def issue_read(k):
        r = pltpu.async_copy(jobs[k][0], buf.at[k % 4], rsems.at[k % 4])
        ri = None
        if jobs[k][2] is not None:
            o = k // 2
            ri = pltpu.async_copy(jobs[k][2], idxv.at[o % 2],
                                  isems.at[o % 2])
        return r, ri

    rs = [issue_read(0), issue_read(1)]
    ws = [None] * n
    ss = []
    for k in range(n):
        b = k % 4
        r, ri = rs[k]
        r.wait()
        if ri is not None:
            ri.wait()
            o = k // 2
            ss.append(pltpu.async_copy(
                buf.at[b], shared.at[idxv.at[o % 2]], ssems.at[o % 2],
                add=True))
        ws[k] = pltpu.async_copy(buf.at[b], jobs[k][1], wsems.at[b])
        if k + 2 < n:
            if k - 2 >= 0:
                ws[k - 2].wait()
                if jobs[k - 2][2] is not None:
                    ss[(k - 2) // 2].wait()
            rs.append(issue_read(k + 2))
    ws[n - 4].wait()
    ws[n - 3].wait()
    ws[n - 2].wait()
    ws[n - 1].wait()
    ss[-1].wait()
    ss[-2].wait()

    plsc.subcore_barrier()

    @pl.when(sid == 0)
    def _writeback():
        pltpu.sync_copy(shared, zbuf)
        pltpu.sync_copy(zbuf, out_hbm.at[cid])


def _atten_body(w_ref, part_ref, cnt_ref, out_ref, pn_ref):
    @pl.when(pl.program_id(0) == 0)
    def _proto():
        psum = part_ref[0, :NUM_CLASSES, :] + part_ref[1, :NUM_CLASSES, :]
        p = psum / cnt_ref[...]
        pn_ref[...] = p / jnp.maximum(
            jnp.sqrt(jnp.sum(p * p, axis=1, keepdims=True)), 1e-12)

    p = pn_ref[...]
    w = w_ref[...]
    ssT = lax.dot_general(
        jnp.ones((1, FEAT_DIM), jnp.float32), w * w,
        (((1,), (1,)), ((), ())), preferred_element_type=jnp.float32)
    inv = (1.0 / TAU) / jnp.maximum(jnp.sqrt(ssT), 1e-12)
    lT = lax.dot_general(
        p, w, (((1,), (1,)), ((), ())),
        preferred_element_type=jnp.float32) * inv
    m = jnp.max(lT, axis=0, keepdims=True)
    e = jnp.exp(lT - m)
    out_ref[...] = e * (1.0 / jnp.sum(e, axis=0, keepdims=True))


def kernel(weak_feat, hard_feat, lb_feat, lb_one_hot, logits_x_lb,
           logits_x_ulb_1, logits_x_ulb_2, y_lb, y_ulb):
    idx_row, class_num, ohT_o, llbT_o, l2T_o = pl.pallas_call(
        _prep_body,
        out_shape=[
            jax.ShapeDtypeStruct((1, B_ULB), jnp.int32),
            jax.ShapeDtypeStruct((NUM_CLASSES, 1), jnp.float32),
            jax.ShapeDtypeStruct((NUM_CLASSES, B_LB), jnp.float32),
            jax.ShapeDtypeStruct((NUM_CLASSES, B_LB), jnp.float32),
            jax.ShapeDtypeStruct((NUM_CLASSES, B_ULB), jnp.float32),
        ],
    )(logits_x_ulb_1.T, lb_one_hot.T, logits_x_lb.T, logits_x_ulb_2.T)

    idx_ulb = idx_row.reshape(B_ULB)
    idx_lb = y_lb.astype(jnp.int32).reshape(B_LB)

    mesh = plsc.VectorSubcoreMesh(
        core_axis_name="c", subcore_axis_name="s",
        num_cores=NC, num_subcores=NS)

    sc_scatter_echo = functools.partial(
        pl.kernel,
        out_type=(
            jax.ShapeDtypeStruct((NC, ACC_ROWS, FEAT_DIM), jnp.float32),
            jax.ShapeDtypeStruct((B_ULB, FEAT_DIM), jnp.float32),
            jax.ShapeDtypeStruct((B_ULB, FEAT_DIM), jnp.float32),
            jax.ShapeDtypeStruct((B_LB, FEAT_DIM), jnp.float32),
        ),
        mesh=mesh,
        scratch_types=[
            pltpu.VMEM((4, CHUNK, FEAT_DIM), jnp.float32),
            pltpu.VMEM((2, CHUNK), jnp.int32),
            pltpu.VMEM((ACC_ROWS, FEAT_DIM), jnp.float32),
            pltpu.SemaphoreType.DMA((4,)),
            pltpu.SemaphoreType.DMA((4,)),
            pltpu.SemaphoreType.DMA((2,)),
            pltpu.SemaphoreType.DMA((2,)),
            pltpu.VMEM_SHARED((ACC_ROWS, FEAT_DIM), jnp.float32),
        ],
    )(_sc_scatter_echo_body)
    partials, weak_o, hard_o, lb_o = sc_scatter_echo(
        weak_feat, idx_ulb, lb_feat, idx_lb, hard_feat)

    n_blocks = 4
    blk = B_ULB // n_blocks
    agg_t = pl.pallas_call(
        _atten_body,
        grid=(n_blocks,),
        in_specs=[
            pl.BlockSpec((blk, FEAT_DIM), lambda i: (i, 0)),
            pl.BlockSpec((NC, ACC_ROWS, FEAT_DIM), lambda i: (0, 0, 0)),
            pl.BlockSpec((NUM_CLASSES, 1), lambda i: (0, 0)),
        ],
        out_specs=pl.BlockSpec((NUM_CLASSES, blk), lambda i: (0, i)),
        out_shape=jax.ShapeDtypeStruct((NUM_CLASSES, B_ULB), jnp.float32),
        scratch_shapes=[pltpu.VMEM((NUM_CLASSES, FEAT_DIM), jnp.float32)],
    )(weak_feat, partials, class_num)
    agg_out = agg_t.T

    return (weak_o, hard_o, lb_o, ohT_o.T, llbT_o.T, agg_out, l2T_o.T)

# --- scband reference (transcript-rebuilt; emitter-appended) ---
"""Pipeline reference for scband-self-non-parametric-prototype-70531952935515 (READ-ONLY COPY).

The authoritative reference and input builder live on the scoring server;
editing this copy changes nothing except your own understanding.
"""

import jax, jax.numpy as jnp
import numpy as np

NUM_CLASSES = 10
FEAT_DIM = 128
TAU = 0.5
P_CUTOFF = 0.5


def _l2norm(x, axis=1, eps=1e-12):
    n = jnp.sqrt(jnp.sum(x * x, axis=axis, keepdims=True))
    return x / jnp.maximum(n, eps)


def _forward(weak_feat, hard_feat, lb_feat, lb_one_hot, logits_x_lb, logits_x_ulb_1, logits_x_ulb_2, y_lb, y_ulb):
    feat_all = weak_feat
    # prototype_lb = zeros(10,128).index_add_(0, y_lb, lb_feat)
    prototype_lb = jnp.zeros((NUM_CLASSES, FEAT_DIM), dtype=lb_feat.dtype).at[y_lb].add(lb_feat)
    lb_class_num = jnp.sum(lb_one_hot, axis=0)
    probs = jax.nn.softmax(logits_x_ulb_1, axis=1)
    max_val = jnp.max(probs, axis=1)
    max_idx_ulb = jnp.argmax(probs, axis=1)
    # confidence mask; masked scatter-add is mathematically identical to
    # boolean-indexed index_add_ (masked-out rows contribute zero)
    mask = (max_val > P_CUTOFF).astype(weak_feat.dtype)
    prototype_ulb = jnp.zeros((NUM_CLASSES, FEAT_DIM), dtype=lb_feat.dtype).at[max_idx_ulb].add(weak_feat * mask[:, None])
    ulb_class_num = jnp.zeros((NUM_CLASSES,), dtype=jnp.float32).at[max_idx_ulb].add(mask)
    prototype = prototype_lb + prototype_ulb
    class_num = lb_class_num + ulb_class_num
    # torch.div(prototype.T, class_num).T
    prototype = prototype / class_num[:, None]
    prototype = _l2norm(prototype, axis=1)
    feat_all = _l2norm(feat_all, axis=1)
    atten_mat = jax.nn.softmax(feat_all @ prototype.T / TAU, axis=1)
    label_gt = jnp.eye(NUM_CLASSES, dtype=jnp.float32)
    agg_out = atten_mat @ label_gt
    return (weak_feat, hard_feat, lb_feat, lb_one_hot, logits_x_lb, agg_out, logits_x_ulb_2)


def setup_inputs(seed: int = 0):
    key = jax.random.key(seed)
    ks = jax.random.split(key, 8)
    B_ulb, B_lb = 16384, 4096
    weak_feat = jax.random.normal(ks[0], (B_ulb, FEAT_DIM), dtype=jnp.float32)
    hard_feat = jax.random.normal(ks[1], (B_ulb, FEAT_DIM), dtype=jnp.float32)
    lb_feat = jax.random.normal(ks[2], (B_lb, FEAT_DIM), dtype=jnp.float32)
    y_lb = jax.random.randint(ks[3], (B_lb,), 0, NUM_CLASSES)
    lb_one_hot = jax.nn.one_hot(y_lb, NUM_CLASSES, dtype=jnp.float32)
    logits_x_lb = jax.random.normal(ks[4], (B_lb, NUM_CLASSES), dtype=jnp.float32)
    logits_x_ulb_1 = jax.random.normal(ks[5], (B_ulb, NUM_CLASSES), dtype=jnp.float32) * 3.0
    logits_x_ulb_2 = jax.random.normal(ks[6], (B_ulb, NUM_CLASSES), dtype=jnp.float32)
    y_ulb = jax.random.randint(ks[7], (B_ulb,), 0, NUM_CLASSES)
    return {"weak_feat": weak_feat, "hard_feat": hard_feat, "lb_feat": lb_feat, "lb_one_hot": lb_one_hot, "logits_x_lb": logits_x_lb, "logits_x_ulb_1": logits_x_ulb_1, "logits_x_ulb_2": logits_x_ulb_2, "y_lb": y_lb, "y_ulb": y_ulb}


def reference(weak_feat, hard_feat, lb_feat, lb_one_hot, logits_x_lb, logits_x_ulb_1, logits_x_ulb_2, y_lb, y_ulb):
    return _forward(weak_feat, hard_feat, lb_feat, lb_one_hot, logits_x_lb, logits_x_ulb_1, logits_x_ulb_2, y_lb, y_ulb)

if __name__ == "__main__":
    import jax
    _d = setup_inputs()
    print(jax.jit(kernel)(*tuple(_d.values())))

</pallas_src>

<mosaic_0001>
#map = affine_map<(d0, d1) -> (0, 0)>
#map1 = affine_map<(d0, d1) -> (0)>
#map2 = affine_map<(d0, d1) -> (0, 0, 0)>
module attributes {stable_mosaic.version = 14 : i64} {
  func.func @_sc_scatter_echo_body(%arg0: i32, %arg1: i32, %arg2: memref<16384x128xf32, #tpu.memory_space<hbm>>, %arg3: memref<16384xi32, #tpu.memory_space<hbm>>, %arg4: memref<4096x128xf32, #tpu.memory_space<hbm>>, %arg5: memref<4096xi32, #tpu.memory_space<hbm>>, %arg6: memref<16384x128xf32, #tpu.memory_space<hbm>>, %arg7: memref<2x16x128xf32, #tpu.memory_space<hbm>>, %arg8: memref<16384x128xf32, #tpu.memory_space<hbm>>, %arg9: memref<16384x128xf32, #tpu.memory_space<hbm>>, %arg10: memref<4096x128xf32, #tpu.memory_space<hbm>>, %arg11: memref<4x128x128xf32, #tpu.memory_space<vmem>>, %arg12: memref<2x128xi32, #tpu.memory_space<vmem>>, %arg13: memref<16x128xf32, #tpu.memory_space<vmem>>, %arg14: memref<4x!tpu.dma_semaphore, #tpu.memory_space<semaphore_mem>>, %arg15: memref<4x!tpu.dma_semaphore, #tpu.memory_space<semaphore_mem>>, %arg16: memref<2x!tpu.dma_semaphore, #tpu.memory_space<semaphore_mem>>, %arg17: memref<2x!tpu.dma_semaphore, #tpu.memory_space<semaphore_mem>>, %arg18: memref<16x128xf32, #tpu.memory_space<vmem_shared>>) attributes {dimension_semantics = [#tpu.dimension_semantics<core_parallel>, #tpu.dimension_semantics<subcore_parallel>], iteration_bounds = array<i64: 2, 16>, scalar_prefetch = 0 : i64, scratch_operands = 8 : i64, tpu.core_type = #tpu.core_type<sc_vector_subcore>, window_params = [{transform_indices = #map}, {transform_indices = #map1}, {transform_indices = #map}, {transform_indices = #map1}, {transform_indices = #map}, {transform_indices = #map2}, {transform_indices = #map}, {transform_indices = #map}, {transform_indices = #map}]} {
    %mul3A = arith.constant 16 : i32
    %mul3A_0 = arith.muli %arg0, %mul3A : i32
    %add3A = arith.addi %mul3A_0, %arg1 : i32
    %broadcast_in_dim3A = arith.constant 0.000000e+00 : f32
    %broadcast_in_dim3A_1 = vector.broadcast %broadcast_in_dim3A : f32 to vector<16xf32>
    %scan3A = arith.constant 0 : i32
    %scan3A_2 = arith.constant 16 : i32
    %scan3A_3 = arith.addi %scan3A, %scan3A_2 : i32
    %scan3A_4 = arith.constant 1 : i32
    scf.for %scan3A_902 = %scan3A to %scan3A_3 step %scan3A_4  : i32 {
      %mul3A_903 = arith.constant 1 : i32
      %mul3A_904 = arith.muli %scan3A_902, %mul3A_903 : i32
      %add3A_905 = arith.constant 0 : i32
      %add3A_906 = arith.addi %add3A_905, %mul3A_904 : i32
      %swap3A = arith.index_cast %add3A_906 : i32 to index
      %swap3A_907 = arith.constant 0 : index
      %swap3A_908 = tpu.vector_load %arg13[%swap3A, %swap3A_907] {strides = array<i32>} : memref<16x128xf32, #tpu.memory_space<vmem>>, vector<1x16xf32>,
      %swap3A_909 = vector.shape_cast %swap3A_908 : vector<1x16xf32> to vector<16xf32>
      %swap3A_910 = vector.shape_cast %broadcast_in_dim3A_1 : vector<16xf32> to vector<1x16xf32>
      tpu.vector_store %arg13[%swap3A, %swap3A_907], %swap3A_910 {strides = array<i32>} : memref<16x128xf32, #tpu.memory_space<vmem>>, vector<1x16xf32>,
      %swap3A_911 = arith.index_cast %add3A_906 : i32 to index
      %swap3A_912 = arith.constant 16 : index
      %swap3A_913 = tpu.vector_load %arg13[%swap3A_911, %swap3A_912] {strides = array<i32>} : memref<16x128xf32, #tpu.memory_space<vmem>>, vector<1x16xf32>,
      %swap3A_914 = vector.shape_cast %swap3A_913 : vector<1x16xf32> to vector<16xf32>
      %swap3A_915 = vector.shape_cast %broadcast_in_dim3A_1 : vector<16xf32> to vector<1x16xf32>
      tpu.vector_store %arg13[%swap3A_911, %swap3A_912], %swap3A_915 {strides = array<i32>} : memref<16x128xf32, #tpu.memory_space<vmem>>, vector<1x16xf32>,
      %swap3A_916 = arith.index_cast %add3A_906 : i32 to index
      %swap3A_917 = arith.constant 32 : index
      %swap3A_918 = tpu.vector_load %arg13[%swap3A_916, %swap3A_917] {strides = array<i32>} : memref<16x128xf32, #tpu.memory_space<vmem>>, vector<1x16xf32>,
      %swap3A_919 = vector.shape_cast %swap3A_918 : vector<1x16xf32> to vector<16xf32>
      %swap3A_920 = vector.shape_cast %broadcast_in_dim3A_1 : vector<16xf32> to vector<1x16xf32>
      tpu.vector_store %arg13[%swap3A_916, %swap3A_917], %swap3A_920 {strides = array<i32>} : memref<16x128xf32, #tpu.memory_space<vmem>>, vector<1x16xf32>,
      %swap3A_921 = arith.index_cast %add3A_906 : i32 to index
      %swap3A_922 = arith.constant 48 : index
      %swap3A_923 = tpu.vector_load %arg13[%swap3A_921, %swap3A_922] {strides = array<i32>} : memref<16x128xf32, #tpu.memory_space<vmem>>, vector<1x16xf32>,
      %swap3A_924 = vector.shape_cast %swap3A_923 : vector<1x16xf32> to vector<16xf32>
      %swap3A_925 = vector.shape_cast %broadcast_in_dim3A_1 : vector<16xf32> to vector<1x16xf32>
      tpu.vector_store %arg13[%swap3A_921, %swap3A_922], %swap3A_925 {strides = array<i32>} : memref<16x128xf32, #tpu.memory_space<vmem>>, vector<1x16xf32>,
      %swap3A_926 = arith.index_cast %add3A_906 : i32 to index
      %swap3A_927 = arith.constant 64 : index
      %swap3A_928 = tpu.vector_load %arg13[%swap3A_926, %swap3A_927] {strides = array<i32>} : memref<16x128xf32, #tpu.memory_space<vmem>>, vector<1x16xf32>,
      %swap3A_929 = vector.shape_cast %swap3A_928 : vector<1x16xf32> to vector<16xf32>
      %swap3A_930 = vector.shape_cast %broadcast_in_dim3A_1 : vector<16xf32> to vector<1x16xf32>
      tpu.vector_store %arg13[%swap3A_926, %swap3A_927], %swap3A_930 {strides = array<i32>} : memref<16x128xf32, #tpu.memory_space<vmem>>, vector<1x16xf32>,
      %swap3A_931 = arith.index_cast %add3A_906 : i32 to index
      %swap3A_932 = arith.constant 80 : index
      %swap3A_933 = tpu.vector_load %arg13[%swap3A_931, %swap3A_932] {strides = array<i32>} : memref<16x128xf32, #tpu.memory_space<vmem>>, vector<1x16xf32>,
      %swap3A_934 = vector.shape_cast %swap3A_933 : vector<1x16xf32> to vector<16xf32>
      %swap3A_935 = vector.shape_cast %broadcast_in_dim3A_1 : vector<16xf32> to vector<1x16xf32>
      tpu.vector_store %arg13[%swap3A_931, %swap3A_932], %swap3A_935 {strides = array<i32>} : memref<16x128xf32, #tpu.memory_space<vmem>>, vector<1x16xf32>,
      %swap3A_936 = arith.index_cast %add3A_906 : i32 to index
      %swap3A_937 = arith.constant 96 : index
      %swap3A_938 = tpu.vector_load %arg13[%swap3A_936, %swap3A_937] {strides = array<i32>} : memref<16x128xf32, #tpu.memory_space<vmem>>, vector<1x16xf32>,
      %swap3A_939 = vector.shape_cast %swap3A_938 : vector<1x16xf32> to vector<16xf32>
      %swap3A_940 = vector.shape_cast %broadcast_in_dim3A_1 : vector<16xf32> to vector<1x16xf32>
      tpu.vector_store %arg13[%swap3A_936, %swap3A_937], %swap3A_940 {strides = array<i32>} : memref<16x128xf32, #tpu.memory_space<vmem>>, vector<1x16xf32>,
      %swap3A_941 = arith.index_cast %add3A_906 : i32 to index
      %swap3A_942 = arith.constant 112 : index
      %swap3A_943 = tpu.vector_load %arg13[%swap3A_941, %swap3A_942] {strides = array<i32>} : memref<16x128xf32, #tpu.memory_space<vmem>>, vector<1x16xf32>,
      %swap3A_944 = vector.shape_cast %swap3A_943 : vector<1x16xf32> to vector<16xf32>
      %swap3A_945 = vector.shape_cast %broadcast_in_dim3A_1 : vector<16xf32> to vector<1x16xf32>
      tpu.vector_store %arg13[%swap3A_941, %swap3A_942], %swap3A_945 {strides = array<i32>} : memref<16x128xf32, #tpu.memory_space<vmem>>, vector<1x16xf32>,
    }
    %scan3A_5 = arith.constant 16 : i32
    %eq3A = arith.constant 0 : i32
    %eq3A_6 = arith.cmpi eq, %arg1, %eq3A : i32
    %convert_element_type3A = arith.extui %eq3A_6 : i1 to i32
    %cond3A = arith.constant 0 : i32
    %cond3A_7 = arith.cmpi ne, %convert_element_type3A, %cond3A : i32
    scf.if %cond3A_7 {
      "tpu.region"() ({
        %run_scoped3A = tpu.sem_alloc : memref<!tpu.dma_semaphore, #tpu.memory_space<semaphore_mem>>
        tpu.enqueue_dma source(%arg13 : memref<16x128xf32, #tpu.memory_space<vmem>>) target(%arg18 : memref<16x128xf32, #tpu.memory_space<vmem_shared>>) target_semaphore(%run_scoped3A : memref<!tpu.dma_semaphore, #tpu.memory_space<semaphore_mem>>)
        tpu.wait_dma2 semaphore(%run_scoped3A : memref<!tpu.dma_semaphore, #tpu.memory_space<semaphore_mem>>) src(%arg13 : memref<16x128xf32, #tpu.memory_space<vmem>>) dst(%arg18 : memref<16x128xf32, #tpu.memory_space<vmem_shared>>)
        tpu.yield
      }) : () -> ()
    } else {
    }
    %barrier3A = arith.constant 0 : index
    tpu.barrier barrier_id(%barrier3A)
    %mul3A_8 = arith.constant 512 : i32
    %mul3A_9 = arith.muli %add3A, %mul3A_8 : i32
    %mul3A_10 = arith.constant 128 : i32
    %mul3A_11 = arith.muli %add3A, %mul3A_10 : i32
    %add3A_12 = arith.constant 0 : i32
    %add3A_13 = arith.addi %mul3A_9, %add3A_12 : i32
    %add3A_14 = arith.constant 0 : i32
    %add3A_15 = arith.addi %mul3A_9, %add3A_14 : i32
    %add3A_16 = arith.constant 0 : i32
    %add3A_17 = arith.addi %mul3A_9, %add3A_16 : i32
    %add3A_18 = arith.constant 0 : i32
    %add3A_19 = arith.addi %mul3A_9, %add3A_18 : i32
    %add3A_20 = arith.constant 0 : i32
    %add3A_21 = arith.addi %mul3A_9, %add3A_20 : i32
    %add3A_22 = arith.constant 128 : i32
    %add3A_23 = arith.addi %mul3A_9, %add3A_22 : i32
    %add3A_24 = arith.constant 128 : i32
    %add3A_25 = arith.addi %mul3A_9, %add3A_24 : i32
    %add3A_26 = arith.constant 128 : i32
    %add3A_27 = arith.addi %mul3A_9, %add3A_26 : i32
    %add3A_28 = arith.constant 128 : i32
    %add3A_29 = arith.addi %mul3A_9, %add3A_28 : i32
    %add3A_30 = arith.constant 128 : i32
    %add3A_31 = arith.addi %mul3A_9, %add3A_30 : i32
    %add3A_32 = arith.constant 256 : i32
    %add3A_33 = arith.addi %mul3A_9, %add3A_32 : i32
    %add3A_34 = arith.constant 256 : i32
    %add3A_35 = arith.addi %mul3A_9, %add3A_34 : i32
    %add3A_36 = arith.constant 256 : i32
    %add3A_37 = arith.addi %mul3A_9, %add3A_36 : i32
    %add3A_38 = arith.constant 256 : i32
    %add3A_39 = arith.addi %mul3A_9, %add3A_38 : i32
    %add3A_40 = arith.constant 256 : i32
    %add3A_41 = arith.addi %mul3A_9, %add3A_40 : i32
    %add3A_42 = arith.constant 384 : i32
    %add3A_43 = arith.addi %mul3A_9, %add3A_42 : i32
    %add3A_44 = arith.constant 384 : i32
    %add3A_45 = arith.addi %mul3A_9, %add3A_44 : i32
    %add3A_46 = arith.constant 384 : i32
    %add3A_47 = arith.addi %mul3A_9, %add3A_46 : i32
    %add3A_48 = arith.constant 384 : i32
    %add3A_49 = arith.addi %mul3A_9, %add3A_48 : i32
    %add3A_50 = arith.constant 384 : i32
    %add3A_51 = arith.addi %mul3A_9, %add3A_50 : i32
    %dma_start3A = arith.constant 0 : i32
    %dma_start3A_52 = arith.constant 0 : i32
    %dma_start3A_53 = arith.constant 0 : i32
    %dma_start3A_54 = arith.constant 0 : i32
    %dma_start3A_55 = tpu.memref_slice %arg11[%dma_start3A, %dma_start3A_53, %dma_start3A_54] : memref<4x128x128xf32, #tpu.memory_space<vmem>> -> memref<1x128x128xf32, #tpu.memory_space<vmem>>
    %dma_start3A_56 = tpu.memref_squeeze %dma_start3A_55 : memref<1x128x128xf32, #tpu.memory_space<vmem>> -> memref<128x128xf32, #tpu.memory_space<vmem>>
    %dma_start3A_57 = arith.constant 0 : i32
    %dma_start3A_58 = tpu.memref_slice %arg2[%add3A_13, %dma_start3A_57] : memref<16384x128xf32, #tpu.memory_space<hbm>> -> memref<128x128xf32, #tpu.memory_space<hbm>>
    %dma_start3A_59 = tpu.memref_slice %arg14[%dma_start3A_52] : memref<4x!tpu.dma_semaphore, #tpu.memory_space<semaphore_mem>> -> memref<1x!tpu.dma_semaphore, #tpu.memory_space<semaphore_mem>>
    %dma_start3A_60 = tpu.memref_squeeze %dma_start3A_59 : memref<1x!tpu.dma_semaphore, #tpu.memory_space<semaphore_mem>> -> memref<!tpu.dma_semaphore, #tpu.memory_space<semaphore_mem>>
    %dma_start3A_61 = arith.constant 0 : i32
    %dma_start3A_62 = arith.constant 0 : i32
    %dma_start3A_63 = tpu.memref_slice %arg11[%dma_start3A, %dma_start3A_61, %dma_start3A_62] : memref<4x128x128xf32, #tpu.memory_space<vmem>> -> memref<1x128x128xf32, #tpu.memory_space<vmem>>
    %dma_start3A_64 = tpu.memref_squeeze %dma_start3A_63 : memref<1x128x128xf32, #tpu.memory_space<vmem>> -> memref<128x128xf32, #tpu.memory_space<vmem>>
    %dma_start3A_65 = arith.constant 0 : i32
    %dma_start3A_66 = tpu.memref_slice %arg2[%add3A_13, %dma_start3A_65] : memref<16384x128xf32, #tpu.memory_space<hbm>> -> memref<128x128xf32, #tpu.memory_space<hbm>>
    tpu.enqueue_dma source(%dma_start3A_66 : memref<128x128xf32, #tpu.memory_space<hbm>>) target(%dma_start3A_64 : memref<128x128xf32, #tpu.memory_space<vmem>>) target_semaphore(%dma_start3A_60 : memref<!tpu.dma_semaphore, #tpu.memory_space<semaphore_mem>>)
    %dma_start3A_67 = arith.constant 0 : i32
    %dma_start3A_68 = arith.constant 0 : i32
    %dma_start3A_69 = arith.constant 0 : i32
    %dma_start3A_70 = tpu.memref_slice %arg12[%dma_start3A_67, %dma_start3A_69] : memref<2x128xi32, #tpu.memory_space<vmem>> -> memref<1x128xi32, #tpu.memory_space<vmem>>
    %dma_start3A_71 = tpu.memref_squeeze %dma_start3A_70 : memref<1x128xi32, #tpu.memory_space<vmem>> -> memref<128xi32, #tpu.memory_space<vmem>>
    %dma_start3A_72 = tpu.memref_slice %arg3[%add3A_17] : memref<16384xi32, #tpu.memory_space<hbm>> -> memref<128xi32, #tpu.memory_space<hbm>>
    %dma_start3A_73 = tpu.memref_slice %arg16[%dma_start3A_68] : memref<2x!tpu.dma_semaphore, #tpu.memory_space<semaphore_mem>> -> memref<1x!tpu.dma_semaphore, #tpu.memory_space<semaphore_mem>>
    %dma_start3A_74 = tpu.memref_squeeze %dma_start3A_73 : memref<1x!tpu.dma_semaphore, #tpu.memory_space<semaphore_mem>> -> memref<!tpu.dma_semaphore, #tpu.memory_space<semaphore_mem>>
    %dma_start3A_75 = arith.constant 0 : i32
    %dma_start3A_76 = tpu.memref_slice %arg12[%dma_start3A_67, %dma_start3A_75] : memref<2x128xi32, #tpu.memory_space<vmem>> -> memref<1x128xi32, #tpu.memory_space<vmem>>
    %dma_start3A_77 = tpu.memref_squeeze %dma_start3A_76 : memref<1x128xi32, #tpu.memory_space<vmem>> -> memref<128xi32, #tpu.memory_space<vmem>>
    %dma_start3A_78 = tpu.memref_slice %arg3[%add3A_17] : memref<16384xi32, #tpu.memory_space<hbm>> -> memref<128xi32, #tpu.memory_space<hbm>>
    tpu.enqueue_dma source(%dma_start3A_78 : memref<128xi32, #tpu.memory_space<hbm>>) target(%dma_start3A_77 : memref<128xi32, #tpu.memory_space<vmem>>) target_semaphore(%dma_start3A_74 : memref<!tpu.dma_semaphore, #tpu.memory_space<semaphore_mem>>)
    %dma_start3A_79 = arith.constant 1 : i32
    %dma_start3A_80 = arith.constant 1 : i32
    %dma_start3A_81 = arith.constant 0 : i32
    %dma_start3A_82 = arith.constant 0 : i32
    %dma_start3A_83 = tpu.memref_slice %arg11[%dma_start3A_79, %dma_start3A_81, %dma_start3A_82] : memref<4x128x128xf32, #tpu.memory_space<vmem>> -> memref<1x128x128xf32, #tpu.memory_space<vmem>>
    %dma_start3A_84 = tpu.memref_squeeze %dma_start3A_83 : memref<1x128x128xf32, #tpu.memory_space<vmem>> -> memref<128x128xf32, #tpu.memory_space<vmem>>
    %dma_start3A_85 = arith.constant 0 : i32
    %dma_start3A_86 = tpu.memref_slice %arg6[%add3A_19, %dma_start3A_85] : memref<16384x128xf32, #tpu.memory_space<hbm>> -> memref<128x128xf32, #tpu.memory_space<hbm>>
    %dma_start3A_87 = tpu.memref_slice %arg14[%dma_start3A_80] : memref<4x!tpu.dma_semaphore, #tpu.memory_space<semaphore_mem>> -> memref<1x!tpu.dma_semaphore, #tpu.memory_space<semaphore_mem>>
    %dma_start3A_88 = tpu.memref_squeeze %dma_start3A_87 : memref<1x!tpu.dma_semaphore, #tpu.memory_space<semaphore_mem>> -> memref<!tpu.dma_semaphore, #tpu.memory_space<semaphore_mem>>
    %dma_start3A_89 = arith.constant 0 : i32
    %dma_start3A_90 = arith.constant 0 : i32
    %dma_start3A_91 = tpu.memref_slice %arg11[%dma_start3A_79, %dma_start3A_89, %dma_start3A_90] : memref<4x128x128xf32, #tpu.memory_space<vmem>> -> memref<1x128x128xf32, #tpu.memory_space<vmem>>
    %dma_start3A_92 = tpu.memref_squeeze %dma_start3A_91 : memref<1x128x128xf32, #tpu.memory_space<vmem>> -> memref<128x128xf32, #tpu.memory_space<vmem>>
    %dma_start3A_93 = arith.constant 0 : i32
    %dma_start3A_94 = tpu.memref_slice %arg6[%add3A_19, %dma_start3A_93] : memref<16384x128xf32, #tpu.memory_space<hbm>> -> memref<128x128xf32, #tpu.memory_space<hbm>>
    tpu.enqueue_dma source(%dma_start3A_94 : memref<128x128xf32, #tpu.memory_space<hbm>>) target(%dma_start3A_92 : memref<128x128xf32, #tpu.memory_space<vmem>>) target_semaphore(%dma_start3A_88 : memref<!tpu.dma_semaphore, #tpu.memory_space<semaphore_mem>>)
    %dma_wait3A = arith.constant 0 : i32
    %dma_wait3A_95 = arith.constant 0 : i32
    %dma_wait3A_96 = arith.constant 0 : i32
    %dma_wait3A_97 = arith.constant 0 : i32
    %dma_wait3A_98 = tpu.memref_slice %arg11[%dma_wait3A, %dma_wait3A_96, %dma_wait3A_97] : memref<4x128x128xf32, #tpu.memory_space<vmem>> -> memref<1x128x128xf32, #tpu.memory_space<vmem>>
    %dma_wait3A_99 = tpu.memref_squeeze %dma_wait3A_98 : memref<1x128x128xf32, #tpu.memory_space<vmem>> -> memref<128x128xf32, #tpu.memory_space<vmem>>
    %dma_wait3A_100 = arith.constant 0 : i32
    %dma_wait3A_101 = tpu.memref_slice %arg2[%add3A_13, %dma_wait3A_100] : memref<16384x128xf32, #tpu.memory_space<hbm>> -> memref<128x128xf32, #tpu.memory_space<hbm>>
    %dma_wait3A_102 = tpu.memref_slice %arg14[%dma_wait3A_95] : memref<4x!tpu.dma_semaphore, #tpu.memory_space<semaphore_mem>> -> memref<1x!tpu.dma_semaphore, #tpu.memory_space<semaphore_mem>>
    %dma_wait3A_103 = tpu.memref_squeeze %dma_wait3A_102 : memref<1x!tpu.dma_semaphore, #tpu.memory_space<semaphore_mem>> -> memref<!tpu.dma_semaphore, #tpu.memory_space<semaphore_mem>>
    %dma_wait3A_104 = arith.constant 0 : i32
    %dma_wait3A_105 = arith.constant 0 : i32
    %dma_wait3A_106 = tpu.memref_slice %arg11[%dma_wait3A, %dma_wait3A_104, %dma_wait3A_105] : memref<4x128x128xf32, #tpu.memory_space<vmem>> -> memref<1x128x128xf32, #tpu.memory_space<vmem>>
    %dma_wait3A_107 = tpu.memref_squeeze %dma_wait3A_106 : memref<1x128x128xf32, #tpu.memory_space<vmem>> -> memref<128x128xf32, #tpu.memory_space<vmem>>
    %dma_wait3A_108 = arith.constant 0 : i32
    %dma_wait3A_109 = tpu.memref_slice %arg2[%add3A_13, %dma_wait3A_108] : memref<16384x128xf32, #tpu.memory_space<hbm>> -> memref<128x128xf32, #tpu.memory_space<hbm>>
    tpu.wait_dma2 semaphore(%dma_wait3A_103 : memref<!tpu.dma_semaphore, #tpu.memory_space<semaphore_mem>>) src(%dma_wait3A_109 : memref<128x128xf32, #tpu.memory_space<hbm>>) dst(%dma_wait3A_107 : memref<128x128xf32, #tpu.memory_space<vmem>>)
    %dma_wait3A_110 = arith.constant 0 : i32
    %dma_wait3A_111 = arith.constant 0 : i32
    %dma_wait3A_112 = arith.constant 0 : i32
    %dma_wait3A_113 = tpu.memref_slice %arg12[%dma_wait3A_110, %dma_wait3A_112] : memref<2x128xi32, #tpu.memory_space<vmem>> -> memref<1x128xi32, #tpu.memory_space<vmem>>
    %dma_wait3A_114 = tpu.memref_squeeze %dma_wait3A_113 : memref<1x128xi32, #tpu.memory_space<vmem>> -> memref<128xi32, #tpu.memory_space<vmem>>
    %dma_wait3A_115 = tpu.memref_slice %arg3[%add3A_17] : memref<16384xi32, #tpu.memory_space<hbm>> -> memref<128xi32, #tpu.memory_space<hbm>>
    %dma_wait3A_116 = tpu.memref_slice %arg16[%dma_wait3A_111] : memref<2x!tpu.dma_semaphore, #tpu.memory_space<semaphore_mem>> -> memref<1x!tpu.dma_semaphore, #tpu.memory_space<semaphore_mem>>
    %dma_wait3A_117 = tpu.memref_squeeze %dma_wait3A_116 : memref<1x!tpu.dma_semaphore, #tpu.memory_space<semaphore_mem>> -> memref<!tpu.dma_semaphore, #tpu.memory_space<semaphore_mem>>
    %dma_wait3A_118 = arith.constant 0 : i32
    %dma_wait3A_119 = tpu.memref_slice %arg12[%dma_wait3A_110, %dma_wait3A_118] : memref<2x128xi32, #tpu.memory_space<vmem>> -> memref<1x128xi32, #tpu.memory_space<vmem>>
    %dma_wait3A_120 = tpu.memref_squeeze %dma_wait3A_119 : memref<1x128xi32, #tpu.memory_space<vmem>> -> memref<128xi32, #tpu.memory_space<vmem>>
    %dma_wait3A_121 = tpu.memref_slice %arg3[%add3A_17] : memref<16384xi32, #tpu.memory_space<hbm>> -> memref<128xi32, #tpu.memory_space<hbm>>
    tpu.wait_dma2 semaphore(%dma_wait3A_117 : memref<!tpu.dma_semaphore, #tpu.memory_space<semaphore_mem>>) src(%dma_wait3A_121 : memref<128xi32, #tpu.memory_space<hbm>>) dst(%dma_wait3A_120 : memref<128xi32, #tpu.memory_space<vmem>>)
    %dma_start3A_122 = arith.constant 0 : i32
    %dma_start3A_123 = arith.constant 0 : i32
    %dma_start3A_124 = arith.constant 0 : i32
    %dma_start3A_125 = arith.constant 0 : i32
    %dma_start3A_126 = arith.constant 0 : i32
    %dma_start3A_127 = tpu.memref_slice %arg11[%dma_start3A_122, %dma_start3A_125, %dma_start3A_126] : memref<4x128x128xf32, #tpu.memory_space<vmem>> -> memref<1x128x128xf32, #tpu.memory_space<vmem>>
    %dma_start3A_128 = tpu.memref_squeeze %dma_start3A_127 : memref<1x128x128xf32, #tpu.memory_space<vmem>> -> memref<128x128xf32, #tpu.memory_space<vmem>>
    %dma_start3A_129 = arith.constant 0 : i32
    %dma_start3A_130 = tpu.memref_slice %arg12[%dma_start3A_123, %dma_start3A_129] : memref<2x128xi32, #tpu.memory_space<vmem>> -> memref<1x128xi32, #tpu.memory_space<vmem>>
    %dma_start3A_131 = tpu.memref_squeeze %dma_start3A_130 : memref<1x128xi32, #tpu.memory_space<vmem>> -> memref<128xi32, #tpu.memory_space<vmem>>
    %dma_start3A_132 = arith.constant 0 : i32
    %dma_start3A_133 = arith.constant 0 : i32
    %dma_start3A_134 = tpu.memref_slice %arg18[%dma_start3A_132, %dma_start3A_133] : memref<16x128xf32, #tpu.memory_space<vmem_shared>> -> memref<16x128xf32, #tpu.memory_space<vmem_shared>>
    %dma_start3A_135 = tpu.memref_slice %arg17[%dma_start3A_124] : memref<2x!tpu.dma_semaphore, #tpu.memory_space<semaphore_mem>> -> memref<1x!tpu.dma_semaphore, #tpu.memory_space<semaphore_mem>>
    %dma_start3A_136 = tpu.memref_squeeze %dma_start3A_135 : memref<1x!tpu.dma_semaphore, #tpu.memory_space<semaphore_mem>> -> memref<!tpu.dma_semaphore, #tpu.memory_space<semaphore_mem>>
    tpu.enqueue_indirect_dma source(%dma_start3A_128 : memref<128x128xf32, #tpu.memory_space<vmem>>) target(%dma_start3A_134 : memref<16x128xf32, #tpu.memory_space<vmem_shared>>) offsets(%dma_start3A_131 : memref<128xi32, #tpu.memory_space<vmem>>) semaphore(%dma_start3A_136 : memref<!tpu.dma_semaphore, #tpu.memory_space<semaphore_mem>>) {add = true}
    %dma_start3A_137 = arith.constant 0 : i32
    %dma_start3A_138 = arith.constant 0 : i32
    %dma_start3A_139 = arith.constant 0 : i32
    %dma_start3A_140 = arith.constant 0 : i32
    %dma_start3A_141 = tpu.memref_slice %arg11[%dma_start3A_137, %dma_start3A_139, %dma_start3A_140] : memref<4x128x128xf32, #tpu.memory_space<vmem>> -> memref<1x128x128xf32, #tpu.memory_space<vmem>>
    %dma_start3A_142 = tpu.memref_squeeze %dma_start3A_141 : memref<1x128x128xf32, #tpu.memory_space<vmem>> -> memref<128x128xf32, #tpu.memory_space<vmem>>
    %dma_start3A_143 = arith.constant 0 : i32
    %dma_start3A_144 = tpu.memref_slice %arg8[%add3A_15, %dma_start3A_143] : memref<16384x128xf32, #tpu.memory_space<hbm>> -> memref<128x128xf32, #tpu.memory_space<hbm>>
    %dma_start3A_145 = tpu.memref_slice %arg15[%dma_start3A_138] : memref<4x!tpu.dma_semaphore, #tpu.memory_space<semaphore_mem>> -> memref<1x!tpu.dma_semaphore, #tpu.memory_space<semaphore_mem>>
    %dma_start3A_146 = tpu.memref_squeeze %dma_start3A_145 : memref<1x!tpu.dma_semaphore, #tpu.memory_space<semaphore_mem>> -> memref<!tpu.dma_semaphore, #tpu.memory_space<semaphore_mem>>
    %dma_start3A_147 = arith.constant 0 : i32
    %dma_start3A_148 = tpu.memref_slice %arg8[%add3A_15, %dma_start3A_147] : memref<16384x128xf32, #tpu.memory_space<hbm>> -> memref<128x128xf32, #tpu.memory_space<hbm>>
    %dma_start3A_149 = arith.constant 0 : i32
    %dma_start3A_150 = arith.constant 0 : i32
    %dma_start3A_151 = tpu.memref_slice %arg11[%dma_start3A_137, %dma_start3A_149, %dma_start3A_150] : memref<4x128x128xf32, #tpu.memory_space<vmem>> -> memref<1x128x128xf32, #tpu.memory_space<vmem>>
    %dma_start3A_152 = tpu.memref_squeeze %dma_start3A_151 : memref<1x128x128xf32, #tpu.memory_space<vmem>> -> memref<128x128xf32, #tpu.memory_space<vmem>>
    tpu.enqueue_dma source(%dma_start3A_152 : memref<128x128xf32, #tpu.memory_space<vmem>>) target(%dma_start3A_148 : memref<128x128xf32, #tpu.memory_space<hbm>>) target_semaphore(%dma_start3A_146 : memref<!tpu.dma_semaphore, #tpu.memory_space<semaphore_mem>>)
    %dma_start3A_153 = arith.constant 2 : i32
    %dma_start3A_154 = arith.constant 2 : i32
    %dma_start3A_155 = arith.constant 0 : i32
    %dma_start3A_156 = arith.constant 0 : i32
    %dma_start3A_157 = tpu.memref_slice %arg11[%dma_start3A_153, %dma_start3A_155, %dma_start3A_156] : memref<4x128x128xf32, #tpu.memory_space<vmem>> -> memref<1x128x128xf32, #tpu.memory_space<vmem>>
    %dma_start3A_158 = tpu.memref_squeeze %dma_start3A_157 : memref<1x128x128xf32, #tpu.memory_space<vmem>> -> memref<128x128xf32, #tpu.memory_space<vmem>>
    %dma_start3A_159 = arith.constant 0 : i32
    %dma_start3A_160 = tpu.memref_slice %arg2[%add3A_23, %dma_start3A_159] : memref<16384x128xf32, #tpu.memory_space<hbm>> -> memref<128x128xf32, #tpu.memory_space<hbm>>
    %dma_start3A_161 = tpu.memref_slice %arg14[%dma_start3A_154] : memref<4x!tpu.dma_semaphore, #tpu.memory_space<semaphore_mem>> -> memref<1x!tpu.dma_semaphore, #tpu.memory_space<semaphore_mem>>
    %dma_start3A_162 = tpu.memref_squeeze %dma_start3A_161 : memref<1x!tpu.dma_semaphore, #tpu.memory_space<semaphore_mem>> -> memref<!tpu.dma_semaphore, #tpu.memory_space<semaphore_mem>>
    %dma_start3A_163 = arith.constant 0 : i32
    %dma_start3A_164 = arith.constant 0 : i32
    %dma_start3A_165 = tpu.memref_slice %arg11[%dma_start3A_153, %dma_start3A_163, %dma_start3A_164] : memref<4x128x128xf32, #tpu.memory_space<vmem>> -> memref<1x128x128xf32, #tpu.memory_space<vmem>>
    %dma_start3A_166 = tpu.memref_squeeze %dma_start3A_165 : memref<1x128x128xf32, #tpu.memory_space<vmem>> -> memref<128x128xf32, #tpu.memory_space<vmem>>
    %dma_start3A_167 = arith.constant 0 : i32
    %dma_start3A_168 = tpu.memref_slice %arg2[%add3A_23, %dma_start3A_167] : memref<16384x128xf32, #tpu.memory_space<hbm>> -> memref<128x128xf32, #tpu.memory_space<hbm>>
    tpu.enqueue_dma source(%dma_start3A_168 : memref<128x128xf32, #tpu.memory_space<hbm>>) target(%dma_start3A_166 : memref<128x128xf32, #tpu.memory_space<vmem>>) target_semaphore(%dma_start3A_162 : memref<!tpu.dma_semaphore, #tpu.memory_space<semaphore_mem>>)
    %dma_start3A_169 = arith.constant 1 : i32
    %dma_start3A_170 = arith.constant 1 : i32
    %dma_start3A_171 = arith.constant 0 : i32
    %dma_start3A_172 = tpu.memref_slice %arg12[%dma_start3A_169, %dma_start3A_171] : memref<2x128xi32, #tpu.memory_space<vmem>> -> memref<1x128xi32, #tpu.memory_space<vmem>>
    %dma_start3A_173 = tpu.memref_squeeze %dma_start3A_172 : memref<1x128xi32, #tpu.memory_space<vmem>> -> memref<128xi32, #tpu.memory_space<vmem>>
    %dma_start3A_174 = tpu.memref_slice %arg3[%add3A_27] : memref<16384xi32, #tpu.memory_space<hbm>> -> memref<128xi32, #tpu.memory_space<hbm>>
    %dma_start3A_175 = tpu.memref_slice %arg16[%dma_start3A_170] : memref<2x!tpu.dma_semaphore, #tpu.memory_space<semaphore_mem>> -> memref<1x!tpu.dma_semaphore, #tpu.memory_space<semaphore_mem>>
    %dma_start3A_176 = tpu.memref_squeeze %dma_start3A_175 : memref<1x!tpu.dma_semaphore, #tpu.memory_space<semaphore_mem>> -> memref<!tpu.dma_semaphore, #tpu.memory_space<semaphore_mem>>
    %dma_start3A_177 = arith.constant 0 : i32
    %dma_start3A_178 = tpu.memref_slice %arg12[%dma_start3A_169, %dma_start3A_177] : memref<2x128xi32, #tpu.memory_space<vmem>> -> memref<1x128xi32, #tpu.memory_space<vmem>>
    %dma_start3A_179 = tpu.memref_squeeze %dma_start3A_178 : memref<1x128xi32, #tpu.memory_space<vmem>> -> memref<128xi32, #tpu.memory_space<vmem>>
    %dma_start3A_180 = tpu.memref_slice %arg3[%add3A_27] : memref<16384xi32, #tpu.memory_space<hbm>> -> memref<128xi32, #tpu.memory_space<hbm>>
    tpu.enqueue_dma source(%dma_start3A_180 : memref<128xi32, #tpu.memory_space<hbm>>) target(%dma_start3A_179 : memref<128xi32, #tpu.memory_space<vmem>>) target_semaphore(%dma_start3A_176 : memref<!tpu.dma_semaphore, #tpu.memory_space<semaphore_mem>>)
    %dma_wait3A_181 = arith.constant 1 : i32
    %dma_wait3A_182 = arith.constant 1 : i32
    %dma_wait3A_183 = arith.constant 0 : i32
    %dma_wait3A_184 = arith.constant 0 : i32
    %dma_wait3A_185 = tpu.memref_slice %arg11[%dma_wait3A_181, %dma_wait3A_183, %dma_wait3A_184] : memref<4x128x128xf32, #tpu.memory_space<vmem>> -> memref<1x128x128xf32, #tpu.memory_space<vmem>>
    %dma_wait3A_186 = tpu.memref_squeeze %dma_wait3A_185 : memref<1x128x128xf32, #tpu.memory_space<vmem>> -> memref<128x128xf32, #tpu.memory_space<vmem>>
    %dma_wait3A_187 = arith.constant 0 : i32
    %dma_wait3A_188 = tpu.memref_slice %arg6[%add3A_19, %dma_wait3A_187] : memref<16384x128xf32, #tpu.memory_space<hbm>> -> memref<128x128xf32, #tpu.memory_space<hbm>>
    %dma_wait3A_189 = tpu.memref_slice %arg14[%dma_wait3A_182] : memref<4x!tpu.dma_semaphore, #tpu.memory_space<semaphore_mem>> -> memref<1x!tpu.dma_semaphore, #tpu.memory_space<semaphore_mem>>
    %dma_wait3A_190 = tpu.memref_squeeze %dma_wait3A_189 : memref<1x!tpu.dma_semaphore, #tpu.memory_space<semaphore_mem>> -> memref<!tpu.dma_semaphore, #tpu.memory_space<semaphore_mem>>
    %dma_wait3A_191 = arith.constant 0 : i32
    %dma_wait3A_192 = arith.constant 0 : i32
    %dma_wait3A_193 = tpu.memref_slice %arg11[%dma_wait3A_181, %dma_wait3A_191, %dma_wait3A_192] : memref<4x128x128xf32, #tpu.memory_space<vmem>> -> memref<1x128x128xf32, #tpu.memory_space<vmem>>
    %dma_wait3A_194 = tpu.memref_squeeze %dma_wait3A_193 : memref<1x128x128xf32, #tpu.memory_space<vmem>> -> memref<128x128xf32, #tpu.memory_space<vmem>>
    %dma_wait3A_195 = arith.constant 0 : i32
    %dma_wait3A_196 = tpu.memref_slice %arg6[%add3A_19, %dma_wait3A_195] : memref<16384x128xf32, #tpu.memory_space<hbm>> -> memref<128x128xf32, #tpu.memory_space<hbm>>
    tpu.wait_dma2 semaphore(%dma_wait3A_190 : memref<!tpu.dma_semaphore, #tpu.memory_space<semaphore_mem>>) src(%dma_wait3A_196 : memref<128x128xf32, #tpu.memory_space<hbm>>) dst(%dma_wait3A_194 : memref<128x128xf32, #tpu.memory_space<vmem>>)
    %dma_start3A_197 = arith.constant 1 : i32
    %dma_start3A_198 = arith.constant 1 : i32
    %dma_start3A_199 = arith.constant 0 : i32
    %dma_start3A_200 = arith.constant 0 : i32
    %dma_start3A_201 = tpu.memref_slice %arg11[%dma_start3A_197, %dma_start3A_199, %dma_start3A_200] : memref<4x128x128xf32, #tpu.memory_space<vmem>> -> memref<1x128x128xf32, #tpu.memory_space<vmem>>
    %dma_start3A_202 = tpu.memref_squeeze %dma_start3A_201 : memref<1x128x128xf32, #tpu.memory_space<vmem>> -> memref<128x128xf32, #tpu.memory_space<vmem>>
    %dma_start3A_203 = arith.constant 0 : i32
    %dma_start3A_204 = tpu.memref_slice %arg9[%add3A_21, %dma_start3A_203] : memref<16384x128xf32, #tpu.memory_space<hbm>> -> memref<128x128xf32, #tpu.memory_space<hbm>>
    %dma_start3A_205 = tpu.memref_slice %arg15[%dma_start3A_198] : memref<4x!tpu.dma_semaphore, #tpu.memory_space<semaphore_mem>> -> memref<1x!tpu.dma_semaphore, #tpu.memory_space<semaphore_mem>>
    %dma_start3A_206 = tpu.memref_squeeze %dma_start3A_205 : memref<1x!tpu.dma_semaphore, #tpu.memory_space<semaphore_mem>> -> memref<!tpu.dma_semaphore, #tpu.memory_space<semaphore_mem>>
    %dma_start3A_207 = arith.constant 0 : i32
    %dma_start3A_208 = tpu.memref_slice %arg9[%add3A_21, %dma_start3A_207] : memref<16384x128xf32, #tpu.memory_space<hbm>> -> memref<128x128xf32, #tpu.memory_space<hbm>>
    %dma_start3A_209 = arith.constant 0 : i32
    %dma_start3A_210 = arith.constant 0 : i32
    %dma_start3A_211 = tpu.memref_slice %arg11[%dma_start3A_197, %dma_start3A_209, %dma_start3A_210] : memref<4x128x128xf32, #tpu.memory_space<vmem>> -> memref<1x128x128xf32, #tpu.memory_space<vmem>>
    %dma_start3A_212 = tpu.memref_squeeze %dma_start3A_211 : memref<1x128x128xf32, #tpu.memory_space<vmem>> -> memref<128x128xf32, #tpu.memory_space<vmem>>
    tpu.enqueue_dma source(%dma_start3A_212 : memref<128x128xf32, #tpu.memory_space<vmem>>) target(%dma_start3A_208 : memref<128x128xf32, #tpu.memory_space<hbm>>) target_semaphore(%dma_start3A_206 : memref<!tpu.dma_semaphore, #tpu.memory_space<semaphore_mem>>)
    %dma_start3A_213 = arith.constant 3 : i32
    %dma_start3A_214 = arith.constant 3 : i32
    %dma_start3A_215 = arith.constant 0 : i32
    %dma_start3A_216 = arith.constant 0 : i32
    %dma_start3A_217 = tpu.memref_slice %arg11[%dma_start3A_213, %dma_start3A_215, %dma_start3A_216] : memref<4x128x128xf32, #tpu.memory_space<vmem>> -> memref<1x128x128xf32, #tpu.memory_space<vmem>>
    %dma_start3A_218 = tpu.memref_squeeze %dma_start3A_217 : memref<1x128x128xf32, #tpu.memory_space<vmem>> -> memref<128x128xf32, #tpu.memory_space<vmem>>
    %dma_start3A_219 = arith.constant 0 : i32
    %dma_start3A_220 = tpu.memref_slice %arg6[%add3A_29, %dma_start3A_219] : memref<16384x128xf32, #tpu.memory_space<hbm>> -> memref<128x128xf32, #tpu.memory_space<hbm>>
    %dma_start3A_221 = tpu.memref_slice %arg14[%dma_start3A_214] : memref<4x!tpu.dma_semaphore, #tpu.memory_space<semaphore_mem>> -> memref<1x!tpu.dma_semaphore, #tpu.memory_space<semaphore_mem>>
    %dma_start3A_222 = tpu.memref_squeeze %dma_start3A_221 : memref<1x!tpu.dma_semaphore, #tpu.memory_space<semaphore_mem>> -> memref<!tpu.dma_semaphore, #tpu.memory_space<semaphore_mem>>
    %dma_start3A_223 = arith.constant 0 : i32
    %dma_start3A_224 = arith.constant 0 : i32
    %dma_start3A_225 = tpu.memref_slice %arg11[%dma_start3A_213, %dma_start3A_223, %dma_start3A_224] : memref<4x128x128xf32, #tpu.memory_space<vmem>> -> memref<1x128x128xf32, #tpu.memory_space<vmem>>
    %dma_start3A_226 = tpu.memref_squeeze %dma_start3A_225 : memref<1x128x128xf32, #tpu.memory_space<vmem>> -> memref<128x128xf32, #tpu.memory_space<vmem>>
    %dma_start3A_227 = arith.constant 0 : i32
    %dma_start3A_228 = tpu.memref_slice %arg6[%add3A_29, %dma_start3A_227] : memref<16384x128xf32, #tpu.memory_space<hbm>> -> memref<128x128xf32, #tpu.memory_space<hbm>>
    tpu.enqueue_dma source(%dma_start3A_228 : memref<128x128xf32, #tpu.memory_space<hbm>>) target(%dma_start3A_226 : memref<128x128xf32, #tpu.memory_space<vmem>>) target_semaphore(%dma_start3A_222 : memref<!tpu.dma_semaphore, #tpu.memory_space<semaphore_mem>>)
    %dma_wait3A_229 = arith.constant 2 : i32
    %dma_wait3A_230 = arith.constant 2 : i32
    %dma_wait3A_231 = arith.constant 0 : i32
    %dma_wait3A_232 = arith.constant 0 : i32
    %dma_wait3A_233 = tpu.memref_slice %arg11[%dma_wait3A_229, %dma_wait3A_231, %dma_wait3A_232] : memref<4x128x128xf32, #tpu.memory_space<vmem>> -> memref<1x128x128xf32, #tpu.memory_space<vmem>>
    %dma_wait3A_234 = tpu.memref_squeeze %dma_wait3A_233 : memref<1x128x128xf32, #tpu.memory_space<vmem>> -> memref<128x128xf32, #tpu.memory_space<vmem>>
    %dma_wait3A_235 = arith.constant 0 : i32
    %dma_wait3A_236 = tpu.memref_slice %arg2[%add3A_23, %dma_wait3A_235] : memref<16384x128xf32, #tpu.memory_space<hbm>> -> memref<128x128xf32, #tpu.memory_space<hbm>>
    %dma_wait3A_237 = tpu.memref_slice %arg14[%dma_wait3A_230] : memref<4x!tpu.dma_semaphore, #tpu.memory_space<semaphore_mem>> -> memref<1x!tpu.dma_semaphore, #tpu.memory_space<semaphore_mem>>
    %dma_wait3A_238 = tpu.memref_squeeze %dma_wait3A_237 : memref<1x!tpu.dma_semaphore, #tpu.memory_space<semaphore_mem>> -> memref<!tpu.dma_semaphore, #tpu.memory_space<semaphore_mem>>
    %dma_wait3A_239 = arith.constant 0 : i32
    %dma_wait3A_240 = arith.constant 0 : i32
    %dma_wait3A_241 = tpu.memref_slice %arg11[%dma_wait3A_229, %dma_wait3A_239, %dma_wait3A_240] : memref<4x128x128xf32, #tpu.memory_space<vmem>> -> memref<1x128x128xf32, #tpu.memory_space<vmem>>
    %dma_wait3A_242 = tpu.memref_squeeze %dma_wait3A_241 : memref<1x128x128xf32, #tpu.memory_space<vmem>> -> memref<128x128xf32, #tpu.memory_space<vmem>>
    %dma_wait3A_243 = arith.constant 0 : i32
    %dma_wait3A_244 = tpu.memref_slice %arg2[%add3A_23, %dma_wait3A_243] : memref<16384x128xf32, #tpu.memory_space<hbm>> -> memref<128x128xf32, #tpu.memory_space<hbm>>
    tpu.wait_dma2 semaphore(%dma_wait3A_238 : memref<!tpu.dma_semaphore, #tpu.memory_space<semaphore_mem>>) src(%dma_wait3A_244 : memref<128x128xf32, #tpu.memory_space<hbm>>) dst(%dma_wait3A_242 : memref<128x128xf32, #tpu.memory_space<vmem>>)
    %dma_wait3A_245 = arith.constant 1 : i32
    %dma_wait3A_246 = arith.constant 1 : i32
    %dma_wait3A_247 = arith.constant 0 : i32
    %dma_wait3A_248 = tpu.memref_slice %arg12[%dma_wait3A_245, %dma_wait3A_247] : memref<2x128xi32, #tpu.memory_space<vmem>> -> memref<1x128xi32, #tpu.memory_space<vmem>>
    %dma_wait3A_249 = tpu.memref_squeeze %dma_wait3A_248 : memref<1x128xi32, #tpu.memory_space<vmem>> -> memref<128xi32, #tpu.memory_space<vmem>>
    %dma_wait3A_250 = tpu.memref_slice %arg3[%add3A_27] : memref<16384xi32, #tpu.memory_space<hbm>> -> memref<128xi32, #tpu.memory_space<hbm>>
    %dma_wait3A_251 = tpu.memref_slice %arg16[%dma_wait3A_246] : memref<2x!tpu.dma_semaphore, #tpu.memory_space<semaphore_mem>> -> memref<1x!tpu.dma_semaphore, #tpu.memory_space<semaphore_mem>>
    %dma_wait3A_252 = tpu.memref_squeeze %dma_wait3A_251 : memref<1x!tpu.dma_semaphore, #tpu.memory_space<semaphore_mem>> -> memref<!tpu.dma_semaphore, #tpu.memory_space<semaphore_mem>>
    %dma_wait3A_253 = arith.constant 0 : i32
    %dma_wait3A_254 = tpu.memref_slice %arg12[%dma_wait3A_245, %dma_wait3A_253] : memref<2x128xi32, #tpu.memory_space<vmem>> -> memref<1x128xi32, #tpu.memory_space<vmem>>
    %dma_wait3A_255 = tpu.memref_squeeze %dma_wait3A_254 : memref<1x128xi32, #tpu.memory_space<vmem>> -> memref<128xi32, #tpu.memory_space<vmem>>
    %dma_wait3A_256 = tpu.memref_slice %arg3[%add3A_27] : memref<16384xi32, #tpu.memory_space<hbm>> -> memref<128xi32, #tpu.memory_space<hbm>>
    tpu.wait_dma2 semaphore(%dma_wait3A_252 : memref<!tpu.dma_semaphore, #tpu.memory_space<semaphore_mem>>) src(%dma_wait3A_256 : memref<128xi32, #tpu.memory_space<hbm>>) dst(%dma_wait3A_255 : memref<128xi32, #tpu.memory_space<vmem>>)
    %dma_start3A_257 = arith.constant 2 : i32
    %dma_start3A_258 = arith.constant 1 : i32
    %dma_start3A_259 = arith.constant 1 : i32
    %dma_start3A_260 = arith.constant 0 : i32
    %dma_start3A_261 = arith.constant 0 : i32
    %dma_start3A_262 = tpu.memref_slice %arg11[%dma_start3A_257, %dma_start3A_260, %dma_start3A_261] : memref<4x128x128xf32, #tpu.memory_space<vmem>> -> memref<1x128x128xf32, #tpu.memory_space<vmem>>
    %dma_start3A_263 = tpu.memref_squeeze %dma_start3A_262 : memref<1x128x128xf32, #tpu.memory_space<vmem>> -> memref<128x128xf32, #tpu.memory_space<vmem>>
    %dma_start3A_264 = arith.constant 0 : i32
    %dma_start3A_265 = tpu.memref_slice %arg12[%dma_start3A_258, %dma_start3A_264] : memref<2x128xi32, #tpu.memory_space<vmem>> -> memref<1x128xi32, #tpu.memory_space<vmem>>
    %dma_start3A_266 = tpu.memref_squeeze %dma_start3A_265 : memref<1x128xi32, #tpu.memory_space<vmem>> -> memref<128xi32, #tpu.memory_space<vmem>>
    %dma_start3A_267 = arith.constant 0 : i32
    %dma_start3A_268 = arith.constant 0 : i32
    %dma_start3A_269 = tpu.memref_slice %arg18[%dma_start3A_267, %dma_start3A_268] : memref<16x128xf32, #tpu.memory_space<vmem_shared>> -> memref<16x128xf32, #tpu.memory_space<vmem_shared>>
    %dma_start3A_270 = tpu.memref_slice %arg17[%dma_start3A_259] : memref<2x!tpu.dma_semaphore, #tpu.memory_space<semaphore_mem>> -> memref<1x!tpu.dma_semaphore, #tpu.memory_space<semaphore_mem>>
    %dma_start3A_271 = tpu.memref_squeeze %dma_start3A_270 : memref<1x!tpu.dma_semaphore, #tpu.memory_space<semaphore_mem>> -> memref<!tpu.dma_semaphore, #tpu.memory_space<semaphore_mem>>
    tpu.enqueue_indirect_dma source(%dma_start3A_263 : memref<128x128xf32, #tpu.memory_space<vmem>>) target(%dma_start3A_269 : memref<16x128xf32, #tpu.memory_space<vmem_shared>>) offsets(%dma_start3A_266 : memref<128xi32, #tpu.memory_space<vmem>>) semaphore(%dma_start3A_271 : memref<!tpu.dma_semaphore, #tpu.memory_space<semaphore_mem>>) {add = true}
    %dma_start3A_272 = arith.constant 2 : i32
    %dma_start3A_273 = arith.constant 2 : i32
    %dma_start3A_274 = arith.constant 0 : i32
    %dma_start3A_275 = arith.constant 0 : i32
    %dma_start3A_276 = tpu.memref_slice %arg11[%dma_start3A_272, %dma_start3A_274, %dma_start3A_275] : memref<4x128x128xf32, #tpu.memory_space<vmem>> -> memref<1x128x128xf32, #tpu.memory_space<vmem>>
    %dma_start3A_277 = tpu.memref_squeeze %dma_start3A_276 : memref<1x128x128xf32, #tpu.memory_space<vmem>> -> memref<128x128xf32, #tpu.memory_space<vmem>>
    %dma_start3A_278 = arith.constant 0 : i32
    %dma_start3A_279 = tpu.memref_slice %arg8[%add3A_25, %dma_start3A_278] : memref<16384x128xf32, #tpu.memory_space<hbm>> -> memref<128x128xf32, #tpu.memory_space<hbm>>
    %dma_start3A_280 = tpu.memref_slice %arg15[%dma_start3A_273] : memref<4x!tpu.dma_semaphore, #tpu.memory_space<semaphore_mem>> -> memref<1x!tpu.dma_semaphore, #tpu.memory_space<semaphore_mem>>
    %dma_start3A_281 = tpu.memref_squeeze %dma_start3A_280 : memref<1x!tpu.dma_semaphore, #tpu.memory_space<semaphore_mem>> -> memref<!tpu.dma_semaphore, #tpu.memory_space<semaphore_mem>>
    %dma_start3A_282 = arith.constant 0 : i32
    %dma_start3A_283 = tpu.memref_slice %arg8[%add3A_25, %dma_start3A_282] : memref<16384x128xf32, #tpu.memory_space<hbm>> -> memref<128x128xf32, #tpu.memory_space<hbm>>
    %dma_start3A_284 = arith.constant 0 : i32
    %dma_start3A_285 = arith.constant 0 : i32
    %dma_start3A_286 = tpu.memref_slice %arg11[%dma_start3A_272, %dma_start3A_284, %dma_start3A_285] : memref<4x128x128xf32, #tpu.memory_space<vmem>> -> memref<1x128x128xf32, #tpu.memory_space<vmem>>
    %dma_start3A_287 = tpu.memref_squeeze %dma_start3A_286 : memref<1x128x128xf32, #tpu.memory_space<vmem>> -> memref<128x128xf32, #tpu.memory_space<vmem>>
    tpu.enqueue_dma source(%dma_start3A_287 : memref<128x128xf32, #tpu.memory_space<vmem>>) target(%dma_start3A_283 : memref<128x128xf32, #tpu.memory_space<hbm>>) target_semaphore(%dma_start3A_281 : memref<!tpu.dma_semaphore, #tpu.memory_space<semaphore_mem>>)
    %dma_wait3A_288 = arith.constant 0 : i32
    %dma_wait3A_289 = arith.constant 0 : i32
    %dma_wait3A_290 = arith.constant 0 : i32
    %dma_wait3A_291 = arith.constant 0 : i32
    %dma_wait3A_292 = tpu.memref_slice %arg11[%dma_wait3A_288, %dma_wait3A_290, %dma_wait3A_291] : memref<4x128x128xf32, #tpu.memory_space<vmem>> -> memref<1x128x128xf32, #tpu.memory_space<vmem>>
    %dma_wait3A_293 = tpu.memref_squeeze %dma_wait3A_292 : memref<1x128x128xf32, #tpu.memory_space<vmem>> -> memref<128x128xf32, #tpu.memory_space<vmem>>
    %dma_wait3A_294 = arith.constant 0 : i32
    %dma_wait3A_295 = tpu.memref_slice %arg8[%add3A_15, %dma_wait3A_294] : memref<16384x128xf32, #tpu.memory_space<hbm>> -> memref<128x128xf32, #tpu.memory_space<hbm>>
    %dma_wait3A_296 = tpu.memref_slice %arg15[%dma_wait3A_289] : memref<4x!tpu.dma_semaphore, #tpu.memory_space<semaphore_mem>> -> memref<1x!tpu.dma_semaphore, #tpu.memory_space<semaphore_mem>>
    %dma_wait3A_297 = tpu.memref_squeeze %dma_wait3A_296 : memref<1x!tpu.dma_semaphore, #tpu.memory_space<semaphore_mem>> -> memref<!tpu.dma_semaphore, #tpu.memory_space<semaphore_mem>>
    %dma_wait3A_298 = arith.constant 0 : i32
    %dma_wait3A_299 = tpu.memref_slice %arg8[%add3A_15, %dma_wait3A_298] : memref<16384x128xf32, #tpu.memory_space<hbm>> -> memref<128x128xf32, #tpu.memory_space<hbm>>
    %dma_wait3A_300 = arith.constant 0 : i32
    %dma_wait3A_301 = arith.constant 0 : i32
    %dma_wait3A_302 = tpu.memref_slice %arg11[%dma_wait3A_288, %dma_wait3A_300, %dma_wait3A_301] : memref<4x128x128xf32, #tpu.memory_space<vmem>> -> memref<1x128x128xf32, #tpu.memory_space<vmem>>
    %dma_wait3A_303 = tpu.memref_squeeze %dma_wait3A_302 : memref<1x128x128xf32, #tpu.memory_space<vmem>> -> memref<128x128xf32, #tpu.memory_space<vmem>>
    tpu.wait_dma2 semaphore(%dma_wait3A_297 : memref<!tpu.dma_semaphore, #tpu.memory_space<semaphore_mem>>) src(%dma_wait3A_303 : memref<128x128xf32, #tpu.memory_space<vmem>>) dst(%dma_wait3A_299 : memref<128x128xf32, #tpu.memory_space<hbm>>)
    %dma_wait3A_304 = arith.constant 0 : i32
    %dma_wait3A_305 = arith.constant 0 : i32
    %dma_wait3A_306 = arith.constant 0 : i32
    %dma_wait3A_307 = arith.constant 0 : i32
    %dma_wait3A_308 = arith.constant 0 : i32
    %dma_wait3A_309 = tpu.memref_slice %arg11[%dma_wait3A_304, %dma_wait3A_307, %dma_wait3A_308] : memref<4x128x128xf32, #tpu.memory_space<vmem>> -> memref<1x128x128xf32, #tpu.memory_space<vmem>>
    %dma_wait3A_310 = tpu.memref_squeeze %dma_wait3A_309 : memref<1x128x128xf32, #tpu.memory_space<vmem>> -> memref<128x128xf32, #tpu.memory_space<vmem>>
    %dma_wait3A_311 = arith.constant 0 : i32
    %dma_wait3A_312 = tpu.memref_slice %arg12[%dma_wait3A_305, %dma_wait3A_311] : memref<2x128xi32, #tpu.memory_space<vmem>> -> memref<1x128xi32, #tpu.memory_space<vmem>>
    %dma_wait3A_313 = tpu.memref_squeeze %dma_wait3A_312 : memref<1x128xi32, #tpu.memory_space<vmem>> -> memref<128xi32, #tpu.memory_space<vmem>>
    %dma_wait3A_314 = arith.constant 0 : i32
    %dma_wait3A_315 = arith.constant 0 : i32
    %dma_wait3A_316 = tpu.memref_slice %arg18[%dma_wait3A_314, %dma_wait3A_315] : memref<16x128xf32, #tpu.memory_space<vmem_shared>> -> memref<16x128xf32, #tpu.memory_space<vmem_shared>>
    %dma_wait3A_317 = tpu.memref_slice %arg17[%dma_wait3A_306] : memref<2x!tpu.dma_semaphore, #tpu.memory_space<semaphore_mem>> -> memref<1x!tpu.dma_semaphore, #tpu.memory_space<semaphore_mem>>
    %dma_wait3A_318 = tpu.memref_squeeze %dma_wait3A_317 : memref<1x!tpu.dma_semaphore, #tpu.memory_space<semaphore_mem>> -> memref<!tpu.dma_semaphore, #tpu.memory_space<semaphore_mem>>
    tpu.wait_indirect_dma semaphore(%dma_wait3A_318 : memref<!tpu.dma_semaphore, #tpu.memory_space<semaphore_mem>>) src(%dma_wait3A_310 : memref<128x128xf32, #tpu.memory_space<vmem>>) dst(%dma_wait3A_316 : memref<16x128xf32, #tpu.memory_space<vmem_shared>>)
    %dma_start3A_319 = arith.constant 0 : i32
    %dma_start3A_320 = arith.constant 0 : i32
    %dma_start3A_321 = arith.constant 0 : i32
    %dma_start3A_322 = arith.constant 0 : i32
    %dma_start3A_323 = tpu.memref_slice %arg11[%dma_start3A_319, %dma_start3A_321, %dma_start3A_322] : memref<4x128x128xf32, #tpu.memory_space<vmem>> -> memref<1x128x128xf32, #tpu.memory_space<vmem>>
    %dma_start3A_324 = tpu.memref_squeeze %dma_start3A_323 : memref<1x128x128xf32, #tpu.memory_space<vmem>> -> memref<128x128xf32, #tpu.memory_space<vmem>>
    %dma_start3A_325 = arith.constant 0 : i32
    %dma_start3A_326 = tpu.memref_slice %arg2[%add3A_33, %dma_start3A_325] : memref<16384x128xf32, #tpu.memory_space<hbm>> -> memref<128x128xf32, #tpu.memory_space<hbm>>
    %dma_start3A_327 = tpu.memref_slice %arg14[%dma_start3A_320] : memref<4x!tpu.dma_semaphore, #tpu.memory_space<semaphore_mem>> -> memref<1x!tpu.dma_semaphore, #tpu.memory_space<semaphore_mem>>
    %dma_start3A_328 = tpu.memref_squeeze %dma_start3A_327 : memref<1x!tpu.dma_semaphore, #tpu.memory_space<semaphore_mem>> -> memref<!tpu.dma_semaphore, #tpu.memory_space<semaphore_mem>>
    %dma_start3A_329 = arith.constant 0 : i32
    %dma_start3A_330 = arith.constant 0 : i32
    %dma_start3A_331 = tpu.memref_slice %arg11[%dma_start3A_319, %dma_start3A_329, %dma_start3A_330] : memref<4x128x128xf32, #tpu.memory_space<vmem>> -> memref<1x128x128xf32, #tpu.memory_space<vmem>>
    %dma_start3A_332 = tpu.memref_squeeze %dma_start3A_331 : memref<1x128x128xf32, #tpu.memory_space<vmem>> -> memref<128x128xf32, #tpu.memory_space<vmem>>
    %dma_start3A_333 = arith.constant 0 : i32
    %dma_start3A_334 = tpu.memref_slice %arg2[%add3A_33, %dma_start3A_333] : memref<16384x128xf32, #tpu.memory_space<hbm>> -> memref<128x128xf32, #tpu.memory_space<hbm>>
    tpu.enqueue_dma source(%dma_start3A_334 : memref<128x128xf32, #tpu.memory_space<hbm>>) target(%dma_start3A_332 : memref<128x128xf32, #tpu.memory_space<vmem>>) target_semaphore(%dma_start3A_328 : memref<!tpu.dma_semaphore, #tpu.memory_space<semaphore_mem>>)
    %dma_start3A_335 = arith.constant 0 : i32
    %dma_start3A_336 = arith.constant 0 : i32
    %dma_start3A_337 = arith.constant 0 : i32
    %dma_start3A_338 = tpu.memref_slice %arg12[%dma_start3A_335, %dma_start3A_337] : memref<2x128xi32, #tpu.memory_space<vmem>> -> memref<1x128xi32, #tpu.memory_space<vmem>>
    %dma_start3A_339 = tpu.memref_squeeze %dma_start3A_338 : memref<1x128xi32, #tpu.memory_space<vmem>> -> memref<128xi32, #tpu.memory_space<vmem>>
    %dma_start3A_340 = tpu.memref_slice %arg3[%add3A_37] : memref<16384xi32, #tpu.memory_space<hbm>> -> memref<128xi32, #tpu.memory_space<hbm>>
    %dma_start3A_341 = tpu.memref_slice %arg16[%dma_start3A_336] : memref<2x!tpu.dma_semaphore, #tpu.memory_space<semaphore_mem>> -> memref<1x!tpu.dma_semaphore, #tpu.memory_space<semaphore_mem>>
    %dma_start3A_342 = tpu.memref_squeeze %dma_start3A_341 : memref<1x!tpu.dma_semaphore, #tpu.memory_space<semaphore_mem>> -> memref<!tpu.dma_semaphore, #tpu.memory_space<semaphore_mem>>
    %dma_start3A_343 = arith.constant 0 : i32
    %dma_start3A_344 = tpu.memref_slice %arg12[%dma_start3A_335, %dma_start3A_343] : memref<2x128xi32, #tpu.memory_space<vmem>> -> memref<1x128xi32, #tpu.memory_space<vmem>>
    %dma_start3A_345 = tpu.memref_squeeze %dma_start3A_344 : memref<1x128xi32, #tpu.memory_space<vmem>> -> memref<128xi32, #tpu.memory_space<vmem>>
    %dma_start3A_346 = tpu.memref_slice %arg3[%add3A_37] : memref<16384xi32, #tpu.memory_space<hbm>> -> memref<128xi32, #tpu.memory_space<hbm>>
    tpu.enqueue_dma source(%dma_start3A_346 : memref<128xi32, #tpu.memory_space<hbm>>) target(%dma_start3A_345 : memref<128xi32, #tpu.memory_space<vmem>>) target_semaphore(%dma_start3A_342 : memref<!tpu.dma_semaphore, #tpu.memory_space<semaphore_mem>>)
    %dma_wait3A_347 = arith.constant 3 : i32
    %dma_wait3A_348 = arith.constant 3 : i32
    %dma_wait3A_349 = arith.constant 0 : i32
    %dma_wait3A_350 = arith.constant 0 : i32
    %dma_wait3A_351 = tpu.memref_slice %arg11[%dma_wait3A_347, %dma_wait3A_349, %dma_wait3A_350] : memref<4x128x128xf32, #tpu.memory_space<vmem>> -> memref<1x128x128xf32, #tpu.memory_space<vmem>>
    %dma_wait3A_352 = tpu.memref_squeeze %dma_wait3A_351 : memref<1x128x128xf32, #tpu.memory_space<vmem>> -> memref<128x128xf32, #tpu.memory_space<vmem>>
    %dma_wait3A_353 = arith.constant 0 : i32
    %dma_wait3A_354 = tpu.memref_slice %arg6[%add3A_29, %dma_wait3A_353] : memref<16384x128xf32, #tpu.memory_space<hbm>> -> memref<128x128xf32, #tpu.memory_space<hbm>>
    %dma_wait3A_355 = tpu.memref_slice %arg14[%dma_wait3A_348] : memref<4x!tpu.dma_semaphore, #tpu.memory_space<semaphore_mem>> -> memref<1x!tpu.dma_semaphore, #tpu.memory_space<semaphore_mem>>
    %dma_wait3A_356 = tpu.memref_squeeze %dma_wait3A_355 : memref<1x!tpu.dma_semaphore, #tpu.memory_space<semaphore_mem>> -> memref<!tpu.dma_semaphore, #tpu.memory_space<semaphore_mem>>
    %dma_wait3A_357 = arith.constant 0 : i32
    %dma_wait3A_358 = arith.constant 0 : i32
    %dma_wait3A_359 = tpu.memref_slice %arg11[%dma_wait3A_347, %dma_wait3A_357, %dma_wait3A_358] : memref<4x128x128xf32, #tpu.memory_space<vmem>> -> memref<1x128x128xf32, #tpu.memory_space<vmem>>
    %dma_wait3A_360 = tpu.memref_squeeze %dma_wait3A_359 : memref<1x128x128xf32, #tpu.memory_space<vmem>> -> memref<128x128xf32, #tpu.memory_space<vmem>>
    %dma_wait3A_361 = arith.constant 0 : i32
    %dma_wait3A_362 = tpu.memref_slice %arg6[%add3A_29, %dma_wait3A_361] : memref<16384x128xf32, #tpu.memory_space<hbm>> -> memref<128x128xf32, #tpu.memory_space<hbm>>
    tpu.wait_dma2 semaphore(%dma_wait3A_356 : memref<!tpu.dma_semaphore, #tpu.memory_space<semaphore_mem>>) src(%dma_wait3A_362 : memref<128x128xf32, #tpu.memory_space<hbm>>) dst(%dma_wait3A_360 : memref<128x128xf32, #tpu.memory_space<vmem>>)
    %dma_start3A_363 = arith.constant 3 : i32
    %dma_start3A_364 = arith.constant 3 : i32
    %dma_start3A_365 = arith.constant 0 : i32
    %dma_start3A_366 = arith.constant 0 : i32
    %dma_start3A_367 = tpu.memref_slice %arg11[%dma_start3A_363, %dma_start3A_365, %dma_start3A_366] : memref<4x128x128xf32, #tpu.memory_space<vmem>> -> memref<1x128x128xf32, #tpu.memory_space<vmem>>
    %dma_start3A_368 = tpu.memref_squeeze %dma_start3A_367 : memref<1x128x128xf32, #tpu.memory_space<vmem>> -> memref<128x128xf32, #tpu.memory_space<vmem>>
    %dma_start3A_369 = arith.constant 0 : i32
    %dma_start3A_370 = tpu.memref_slice %arg9[%add3A_31, %dma_start3A_369] : memref<16384x128xf32, #tpu.memory_space<hbm>> -> memref<128x128xf32, #tpu.memory_space<hbm>>
    %dma_start3A_371 = tpu.memref_slice %arg15[%dma_start3A_364] : memref<4x!tpu.dma_semaphore, #tpu.memory_space<semaphore_mem>> -> memref<1x!tpu.dma_semaphore, #tpu.memory_space<semaphore_mem>>
    %dma_start3A_372 = tpu.memref_squeeze %dma_start3A_371 : memref<1x!tpu.dma_semaphore, #tpu.memory_space<semaphore_mem>> -> memref<!tpu.dma_semaphore, #tpu.memory_space<semaphore_mem>>
    %dma_start3A_373 = arith.constant 0 : i32
    %dma_start3A_374 = tpu.memref_slice %arg9[%add3A_31, %dma_start3A_373] : memref<16384x128xf32, #tpu.memory_space<hbm>> -> memref<128x128xf32, #tpu.memory_space<hbm>>
    %dma_start3A_375 = arith.constant 0 : i32
    %dma_start3A_376 = arith.constant 0 : i32
    %dma_start3A_377 = tpu.memref_slice %arg11[%dma_start3A_363, %dma_start3A_375, %dma_start3A_376] : memref<4x128x128xf32, #tpu.memory_space<vmem>> -> memref<1x128x128xf32, #tpu.memory_space<vmem>>
    %dma_start3A_378 = tpu.memref_squeeze %dma_start3A_377 : memref<1x128x128xf32, #tpu.memory_space<vmem>> -> memref<128x128xf32, #tpu.memory_space<vmem>>
    tpu.enqueue_dma source(%dma_start3A_378 : memref<128x128xf32, #tpu.memory_space<vmem>>) target(%dma_start3A_374 : memref<128x128xf32, #tpu.memory_space<hbm>>) target_semaphore(%dma_start3A_372 : memref<!tpu.dma_semaphore, #tpu.memory_space<semaphore_mem>>)
    %dma_wait3A_379 = arith.constant 1 : i32
    %dma_wait3A_380 = arith.constant 1 : i32
    %dma_wait3A_381 = arith.constant 0 : i32
    %dma_wait3A_382 = arith.constant 0 : i32
    %dma_wait3A_383 = tpu.memref_slice %arg11[%dma_wait3A_379, %dma_wait3A_381, %dma_wait3A_382] : memref<4x128x128xf32, #tpu.memory_space<vmem>> -> memref<1x128x128xf32, #tpu.memory_space<vmem>>
    %dma_wait3A_384 = tpu.memref_squeeze %dma_wait3A_383 : memref<1x128x128xf32, #tpu.memory_space<vmem>> -> memref<128x128xf32, #tpu.memory_space<vmem>>
    %dma_wait3A_385 = arith.constant 0 : i32
    %dma_wait3A_386 = tpu.memref_slice %arg9[%add3A_21, %dma_wait3A_385] : memref<16384x128xf32, #tpu.memory_space<hbm>> -> memref<128x128xf32, #tpu.memory_space<hbm>>
    %dma_wait3A_387 = tpu.memref_slice %arg15[%dma_wait3A_380] : memref<4x!tpu.dma_semaphore, #tpu.memory_space<semaphore_mem>> -> memref<1x!tpu.dma_semaphore, #tpu.memory_space<semaphore_mem>>
    %dma_wait3A_388 = tpu.memref_squeeze %dma_wait3A_387 : memref<1x!tpu.dma_semaphore, #tpu.memory_space<semaphore_mem>> -> memref<!tpu.dma_semaphore, #tpu.memory_space<semaphore_mem>>
    %dma_wait3A_389 = arith.constant 0 : i32
    %dma_wait3A_390 = tpu.memref_slice %arg9[%add3A_21, %dma_wait3A_389] : memref<16384x128xf32, #tpu.memory_space<hbm>> -> memref<128x128xf32, #tpu.memory_space<hbm>>
    %dma_wait3A_391 = arith.constant 0 : i32
    %dma_wait3A_392 = arith.constant 0 : i32
    %dma_wait3A_393 = tpu.memref_slice %arg11[%dma_wait3A_379, %dma_wait3A_391, %dma_wait3A_392] : memref<4x128x128xf32, #tpu.memory_space<vmem>> -> memref<1x128x128xf32, #tpu.memory_space<vmem>>
    %dma_wait3A_394 = tpu.memref_squeeze %dma_wait3A_393 : memref<1x128x128xf32, #tpu.memory_space<vmem>> -> memref<128x128xf32, #tpu.memory_space<vmem>>
    tpu.wait_dma2 semaphore(%dma_wait3A_388 : memref<!tpu.dma_semaphore, #tpu.memory_space<semaphore_mem>>) src(%dma_wait3A_394 : memref<128x128xf32, #tpu.memory_space<vmem>>) dst(%dma_wait3A_390 : memref<128x128xf32, #tpu.memory_space<hbm>>)
    %dma_start3A_395 = arith.constant 1 : i32
    %dma_start3A_396 = arith.constant 1 : i32
    %dma_start3A_397 = arith.constant 0 : i32
    %dma_start3A_398 = arith.constant 0 : i32
    %dma_start3A_399 = tpu.memref_slice %arg11[%dma_start3A_395, %dma_start3A_397, %dma_start3A_398] : memref<4x128x128xf32, #tpu.memory_space<vmem>> -> memref<1x128x128xf32, #tpu.memory_space<vmem>>
    %dma_start3A_400 = tpu.memref_squeeze %dma_start3A_399 : memref<1x128x128xf32, #tpu.memory_space<vmem>> -> memref<128x128xf32, #tpu.memory_space<vmem>>
    %dma_start3A_401 = arith.constant 0 : i32
    %dma_start3A_402 = tpu.memref_slice %arg6[%add3A_39, %dma_start3A_401] : memref<16384x128xf32, #tpu.memory_space<hbm>> -> memref<128x128xf32, #tpu.memory_space<hbm>>
    %dma_start3A_403 = tpu.memref_slice %arg14[%dma_start3A_396] : memref<4x!tpu.dma_semaphore, #tpu.memory_space<semaphore_mem>> -> memref<1x!tpu.dma_semaphore, #tpu.memory_space<semaphore_mem>>
    %dma_start3A_404 = tpu.memref_squeeze %dma_start3A_403 : memref<1x!tpu.dma_semaphore, #tpu.memory_space<semaphore_mem>> -> memref<!tpu.dma_semaphore, #tpu.memory_space<semaphore_mem>>
    %dma_start3A_405 = arith.constant 0 : i32
    %dma_start3A_406 = arith.constant 0 : i32
    %dma_start3A_407 = tpu.memref_slice %arg11[%dma_start3A_395, %dma_start3A_405, %dma_start3A_406] : memref<4x128x128xf32, #tpu.memory_space<vmem>> -> memref<1x128x128xf32, #tpu.memory_space<vmem>>
    %dma_start3A_408 = tpu.memref_squeeze %dma_start3A_407 : memref<1x128x128xf32, #tpu.memory_space<vmem>> -> memref<128x128xf32, #tpu.memory_space<vmem>>
    %dma_start3A_409 = arith.constant 0 : i32
    %dma_start3A_410 = tpu.memref_slice %arg6[%add3A_39, %dma_start3A_409] : memref<16384x128xf32, #tpu.memory_space<hbm>> -> memref<128x128xf32, #tpu.memory_space<hbm>>
    tpu.enqueue_dma source(%dma_start3A_410 : memref<128x128xf32, #tpu.memory_space<hbm>>) target(%dma_start3A_408 : memref<128x128xf32, #tpu.memory_space<vmem>>) target_semaphore(%dma_start3A_404 : memref<!tpu.dma_semaphore, #tpu.memory_space<semaphore_mem>>)
    %dma_wait3A_411 = arith.constant 0 : i32
    %dma_wait3A_412 = arith.constant 0 : i32
    %dma_wait3A_413 = arith.constant 0 : i32
    %dma_wait3A_414 = arith.constant 0 : i32
    %dma_wait3A_415 = tpu.memref_slice %arg11[%dma_wait3A_411, %dma_wait3A_413, %dma_wait3A_414] : memref<4x128x128xf32, #tpu.memory_space<vmem>> -> memref<1x128x128xf32, #tpu.memory_space<vmem>>
    %dma_wait3A_416 = tpu.memref_squeeze %dma_wait3A_415 : memref<1x128x128xf32, #tpu.memory_space<vmem>> -> memref<128x128xf32, #tpu.memory_space<vmem>>
    %dma_wait3A_417 = arith.constant 0 : i32
    %dma_wait3A_418 = tpu.memref_slice %arg2[%add3A_33, %dma_wait3A_417] : memref<16384x128xf32, #tpu.memory_space<hbm>> -> memref<128x128xf32, #tpu.memory_space<hbm>>
    %dma_wait3A_419 = tpu.memref_slice %arg14[%dma_wait3A_412] : memref<4x!tpu.dma_semaphore, #tpu.memory_space<semaphore_mem>> -> memref<1x!tpu.dma_semaphore, #tpu.memory_space<semaphore_mem>>
    %dma_wait3A_420 = tpu.memref_squeeze %dma_wait3A_419 : memref<1x!tpu.dma_semaphore, #tpu.memory_space<semaphore_mem>> -> memref<!tpu.dma_semaphore, #tpu.memory_space<semaphore_mem>>
    %dma_wait3A_421 = arith.constant 0 : i32
    %dma_wait3A_422 = arith.constant 0 : i32
    %dma_wait3A_423 = tpu.memref_slice %arg11[%dma_wait3A_411, %dma_wait3A_421, %dma_wait3A_422] : memref<4x128x128xf32, #tpu.memory_space<vmem>> -> memref<1x128x128xf32, #tpu.memory_space<vmem>>
    %dma_wait3A_424 = tpu.memref_squeeze %dma_wait3A_423 : memref<1x128x128xf32, #tpu.memory_space<vmem>> -> memref<128x128xf32, #tpu.memory_space<vmem>>
    %dma_wait3A_425 = arith.constant 0 : i32
    %dma_wait3A_426 = tpu.memref_slice %arg2[%add3A_33, %dma_wait3A_425] : memref<16384x128xf32, #tpu.memory_space<hbm>> -> memref<128x128xf32, #tpu.memory_space<hbm>>
    tpu.wait_dma2 semaphore(%dma_wait3A_420 : memref<!tpu.dma_semaphore, #tpu.memory_space<semaphore_mem>>) src(%dma_wait3A_426 : memref<128x128xf32, #tpu.memory_space<hbm>>) dst(%dma_wait3A_424 : memref<128x128xf32, #tpu.memory_space<vmem>>)
    %dma_wait3A_427 = arith.constant 0 : i32
    %dma_wait3A_428 = arith.constant 0 : i32
    %dma_wait3A_429 = arith.constant 0 : i32
    %dma_wait3A_430 = tpu.memref_slice %arg12[%dma_wait3A_427, %dma_wait3A_429] : memref<2x128xi32, #tpu.memory_space<vmem>> -> memref<1x128xi32, #tpu.memory_space<vmem>>
    %dma_wait3A_431 = tpu.memref_squeeze %dma_wait3A_430 : memref<1x128xi32, #tpu.memory_space<vmem>> -> memref<128xi32, #tpu.memory_space<vmem>>
    %dma_wait3A_432 = tpu.memref_slice %arg3[%add3A_37] : memref<16384xi32, #tpu.memory_space<hbm>> -> memref<128xi32, #tpu.memory_space<hbm>>
    %dma_wait3A_433 = tpu.memref_slice %arg16[%dma_wait3A_428] : memref<2x!tpu.dma_semaphore, #tpu.memory_space<semaphore_mem>> -> memref<1x!tpu.dma_semaphore, #tpu.memory_space<semaphore_mem>>
    %dma_wait3A_434 = tpu.memref_squeeze %dma_wait3A_433 : memref<1x!tpu.dma_semaphore, #tpu.memory_space<semaphore_mem>> -> memref<!tpu.dma_semaphore, #tpu.memory_space<semaphore_mem>>
    %dma_wait3A_435 = arith.constant 0 : i32
    %dma_wait3A_436 = tpu.memref_slice %arg12[%dma_wait3A_427, %dma_wait3A_435] : memref<2x128xi32, #tpu.memory_space<vmem>> -> memref<1x128xi32, #tpu.memory_space<vmem>>
    %dma_wait3A_437 = tpu.memref_squeeze %dma_wait3A_436 : memref<1x128xi32, #tpu.memory_space<vmem>> -> memref<128xi32, #tpu.memory_space<vmem>>
    %dma_wait3A_438 = tpu.memref_slice %arg3[%add3A_37] : memref<16384xi32, #tpu.memory_space<hbm>> -> memref<128xi32, #tpu.memory_space<hbm>>
    tpu.wait_dma2 semaphore(%dma_wait3A_434 : memref<!tpu.dma_semaphore, #tpu.memory_space<semaphore_mem>>) src(%dma_wait3A_438 : memref<128xi32, #tpu.memory_space<hbm>>) dst(%dma_wait3A_437 : memref<128xi32, #tpu.memory_space<vmem>>)
    %dma_start3A_439 = arith.constant 0 : i32
    %dma_start3A_440 = arith.constant 0 : i32
    %dma_start3A_441 = arith.constant 0 : i32
    %dma_start3A_442 = arith.constant 0 : i32
    %dma_start3A_443 = arith.constant 0 : i32
    %dma_start3A_444 = tpu.memref_slice %arg11[%dma_start3A_439, %dma_start3A_442, %dma_start3A_443] : memref<4x128x128xf32, #tpu.memory_space<vmem>> -> memref<1x128x128xf32, #tpu.memory_space<vmem>>
    %dma_start3A_445 = tpu.memref_squeeze %dma_start3A_444 : memref<1x128x128xf32, #tpu.memory_space<vmem>> -> memref<128x128xf32, #tpu.memory_space<vmem>>
    %dma_start3A_446 = arith.constant 0 : i32
    %dma_start3A_447 = tpu.memref_slice %arg12[%dma_start3A_440, %dma_start3A_446] : memref<2x128xi32, #tpu.memory_space<vmem>> -> memref<1x128xi32, #tpu.memory_space<vmem>>
    %dma_start3A_448 = tpu.memref_squeeze %dma_start3A_447 : memref<1x128xi32, #tpu.memory_space<vmem>> -> memref<128xi32, #tpu.memory_space<vmem>>
    %dma_start3A_449 = arith.constant 0 : i32
    %dma_start3A_450 = arith.constant 0 : i32
    %dma_start3A_451 = tpu.memref_slice %arg18[%dma_start3A_449, %dma_start3A_450] : memref<16x128xf32, #tpu.memory_space<vmem_shared>> -> memref<16x128xf32, #tpu.memory_space<vmem_shared>>
    %dma_start3A_452 = tpu.memref_slice %arg17[%dma_start3A_441] : memref<2x!tpu.dma_semaphore, #tpu.memory_space<semaphore_mem>> -> memref<1x!tpu.dma_semaphore, #tpu.memory_space<semaphore_mem>>
    %dma_start3A_453 = tpu.memref_squeeze %dma_start3A_452 : memref<1x!tpu.dma_semaphore, #tpu.memory_space<semaphore_mem>> -> memref<!tpu.dma_semaphore, #tpu.memory_space<semaphore_mem>>
    tpu.enqueue_indirect_dma source(%dma_start3A_445 : memref<128x128xf32, #tpu.memory_space<vmem>>) target(%dma_start3A_451 : memref<16x128xf32, #tpu.memory_space<vmem_shared>>) offsets(%dma_start3A_448 : memref<128xi32, #tpu.memory_space<vmem>>) semaphore(%dma_start3A_453 : memref<!tpu.dma_semaphore, #tpu.memory_space<semaphore_mem>>) {add = true}
    %dma_start3A_454 = arith.constant 0 : i32
    %dma_start3A_455 = arith.constant 0 : i32
    %dma_start3A_456 = arith.constant 0 : i32
    %dma_start3A_457 = arith.constant 0 : i32
    %dma_start3A_458 = tpu.memref_slice %arg11[%dma_start3A_454, %dma_start3A_456, %dma_start3A_457] : memref<4x128x128xf32, #tpu.memory_space<vmem>> -> memref<1x128x128xf32, #tpu.memory_space<vmem>>
    %dma_start3A_459 = tpu.memref_squeeze %dma_start3A_458 : memref<1x128x128xf32, #tpu.memory_space<vmem>> -> memref<128x128xf32, #tpu.memory_space<vmem>>
    %dma_start3A_460 = arith.constant 0 : i32
    %dma_start3A_461 = tpu.memref_slice %arg8[%add3A_35, %dma_start3A_460] : memref<16384x128xf32, #tpu.memory_space<hbm>> -> memref<128x128xf32, #tpu.memory_space<hbm>>
    %dma_start3A_462 = tpu.memref_slice %arg15[%dma_start3A_455] : memref<4x!tpu.dma_semaphore, #tpu.memory_space<semaphore_mem>> -> memref<1x!tpu.dma_semaphore, #tpu.memory_space<semaphore_mem>>
    %dma_start3A_463 = tpu.memref_squeeze %dma_start3A_462 : memref<1x!tpu.dma_semaphore, #tpu.memory_space<semaphore_mem>> -> memref<!tpu.dma_semaphore, #tpu.memory_space<semaphore_mem>>
    %dma_start3A_464 = arith.constant 0 : i32
    %dma_start3A_465 = tpu.memref_slice %arg8[%add3A_35, %dma_start3A_464] : memref<16384x128xf32, #tpu.memory_space<hbm>> -> memref<128x128xf32, #tpu.memory_space<hbm>>
    %dma_start3A_466 = arith.constant 0 : i32
    %dma_start3A_467 = arith.constant 0 : i32
    %dma_start3A_468 = tpu.memref_slice %arg11[%dma_start3A_454, %dma_start3A_466, %dma_start3A_467] : memref<4x128x128xf32, #tpu.memory_space<vmem>> -> memref<1x128x128xf32, #tpu.memory_space<vmem>>
    %dma_start3A_469 = tpu.memref_squeeze %dma_start3A_468 : memref<1x128x128xf32, #tpu.memory_space<vmem>> -> memref<128x128xf32, #tpu.memory_space<vmem>>
    tpu.enqueue_dma source(%dma_start3A_469 : memref<128x128xf32, #tpu.memory_space<vmem>>) target(%dma_start3A_465 : memref<128x128xf32, #tpu.memory_space<hbm>>) target_semaphore(%dma_start3A_463 : memref<!tpu.dma_semaphore, #tpu.memory_space<semaphore_mem>>)
    %dma_wait3A_470 = arith.constant 2 : i32
    %dma_wait3A_471 = arith.constant 2 : i32
    %dma_wait3A_472 = arith.constant 0 : i32
    %dma_wait3A_473 = arith.constant 0 : i32
    %dma_wait3A_474 = tpu.memref_slice %arg11[%dma_wait3A_470, %dma_wait3A_472, %dma_wait3A_473] : memref<4x128x128xf32, #tpu.memory_space<vmem>> -> memref<1x128x128xf32, #tpu.memory_space<vmem>>
    %dma_wait3A_475 = tpu.memref_squeeze %dma_wait3A_474 : memref<1x128x128xf32, #tpu.memory_space<vmem>> -> memref<128x128xf32, #tpu.memory_space<vmem>>
    %dma_wait3A_476 = arith.constant 0 : i32
    %dma_wait3A_477 = tpu.memref_slice %arg8[%add3A_25, %dma_wait3A_476] : memref<16384x128xf32, #tpu.memory_space<hbm>> -> memref<128x128xf32, #tpu.memory_space<hbm>>
    %dma_wait3A_478 = tpu.memref_slice %arg15[%dma_wait3A_471] : memref<4x!tpu.dma_semaphore, #tpu.memory_space<semaphore_mem>> -> memref<1x!tpu.dma_semaphore, #tpu.memory_space<semaphore_mem>>
    %dma_wait3A_479 = tpu.memref_squeeze %dma_wait3A_478 : memref<1x!tpu.dma_semaphore, #tpu.memory_space<semaphore_mem>> -> memref<!tpu.dma_semaphore, #tpu.memory_space<semaphore_mem>>
    %dma_wait3A_480 = arith.constant 0 : i32
    %dma_wait3A_481 = tpu.memref_slice %arg8[%add3A_25, %dma_wait3A_480] : memref<16384x128xf32, #tpu.memory_space<hbm>> -> memref<128x128xf32, #tpu.memory_space<hbm>>
    %dma_wait3A_482 = arith.constant 0 : i32
    %dma_wait3A_483 = arith.constant 0 : i32
    %dma_wait3A_484 = tpu.memref_slice %arg11[%dma_wait3A_470, %dma_wait3A_482, %dma_wait3A_483] : memref<4x128x128xf32, #tpu.memory_space<vmem>> -> memref<1x128x128xf32, #tpu.memory_space<vmem>>
    %dma_wait3A_485 = tpu.memref_squeeze %dma_wait3A_484 : memref<1x128x128xf32, #tpu.memory_space<vmem>> -> memref<128x128xf32, #tpu.memory_space<vmem>>
    tpu.wait_dma2 semaphore(%dma_wait3A_479 : memref<!tpu.dma_semaphore, #tpu.memory_space<semaphore_mem>>) src(%dma_wait3A_485 : memref<128x128xf32, #tpu.memory_space<vmem>>) dst(%dma_wait3A_481 : memref<128x128xf32, #tpu.memory_space<hbm>>)
    %dma_wait3A_486 = arith.constant 2 : i32
    %dma_wait3A_487 = arith.constant 1 : i32
    %dma_wait3A_488 = arith.constant 1 : i32
    %dma_wait3A_489 = arith.constant 0 : i32
    %dma_wait3A_490 = arith.constant 0 : i32
    %dma_wait3A_491 = tpu.memref_slice %arg11[%dma_wait3A_486, %dma_wait3A_489, %dma_wait3A_490] : memref<4x128x128xf32, #tpu.memory_space<vmem>> -> memref<1x128x128xf32, #tpu.memory_space<vmem>>
    %dma_wait3A_492 = tpu.memref_squeeze %dma_wait3A_491 : memref<1x128x128xf32, #tpu.memory_space<vmem>> -> memref<128x128xf32, #tpu.memory_space<vmem>>
    %dma_wait3A_493 = arith.constant 0 : i32
    %dma_wait3A_494 = tpu.memref_slice %arg12[%dma_wait3A_487, %dma_wait3A_493] : memref<2x128xi32, #tpu.memory_space<vmem>> -> memref<1x128xi32, #tpu.memory_space<vmem>>
    %dma_wait3A_495 = tpu.memref_squeeze %dma_wait3A_494 : memref<1x128xi32, #tpu.memory_space<vmem>> -> memref<128xi32, #tpu.memory_space<vmem>>
    %dma_wait3A_496 = arith.constant 0 : i32
    %dma_wait3A_497 = arith.constant 0 : i32
    %dma_wait3A_498 = tpu.memref_slice %arg18[%dma_wait3A_496, %dma_wait3A_497] : memref<16x128xf32, #tpu.memory_space<vmem_shared>> -> memref<16x128xf32, #tpu.memory_space<vmem_shared>>
    %dma_wait3A_499 = tpu.memref_slice %arg17[%dma_wait3A_488] : memref<2x!tpu.dma_semaphore, #tpu.memory_space<semaphore_mem>> -> memref<1x!tpu.dma_semaphore, #tpu.memory_space<semaphore_mem>>
    %dma_wait3A_500 = tpu.memref_squeeze %dma_wait3A_499 : memref<1x!tpu.dma_semaphore, #tpu.memory_space<semaphore_mem>> -> memref<!tpu.dma_semaphore, #tpu.memory_space<semaphore_mem>>
    tpu.wait_indirect_dma semaphore(%dma_wait3A_500 : memref<!tpu.dma_semaphore, #tpu.memory_space<semaphore_mem>>) src(%dma_wait3A_492 : memref<128x128xf32, #tpu.memory_space<vmem>>) dst(%dma_wait3A_498 : memref<16x128xf32, #tpu.memory_space<vmem_shared>>)
    %dma_start3A_501 = arith.constant 2 : i32
    %dma_start3A_502 = arith.constant 2 : i32
    %dma_start3A_503 = arith.constant 0 : i32
    %dma_start3A_504 = arith.constant 0 : i32
    %dma_start3A_505 = tpu.memref_slice %arg11[%dma_start3A_501, %dma_start3A_503, %dma_start3A_504] : memref<4x128x128xf32, #tpu.memory_space<vmem>> -> memref<1x128x128xf32, #tpu.memory_space<vmem>>
    %dma_start3A_506 = tpu.memref_squeeze %dma_start3A_505 : memref<1x128x128xf32, #tpu.memory_space<vmem>> -> memref<128x128xf32, #tpu.memory_space<vmem>>
    %dma_start3A_507 = arith.constant 0 : i32
    %dma_start3A_508 = tpu.memref_slice %arg2[%add3A_43, %dma_start3A_507] : memref<16384x128xf32, #tpu.memory_space<hbm>> -> memref<128x128xf32, #tpu.memory_space<hbm>>
    %dma_start3A_509 = tpu.memref_slice %arg14[%dma_start3A_502] : memref<4x!tpu.dma_semaphore, #tpu.memory_space<semaphore_mem>> -> memref<1x!tpu.dma_semaphore, #tpu.memory_space<semaphore_mem>>
    %dma_start3A_510 = tpu.memref_squeeze %dma_start3A_509 : memref<1x!tpu.dma_semaphore, #tpu.memory_space<semaphore_mem>> -> memref<!tpu.dma_semaphore, #tpu.memory_space<semaphore_mem>>
    %dma_start3A_511 = arith.constant 0 : i32
    %dma_start3A_512 = arith.constant 0 : i32
    %dma_start3A_513 = tpu.memref_slice %arg11[%dma_start3A_501, %dma_start3A_511, %dma_start3A_512] : memref<4x128x128xf32, #tpu.memory_space<vmem>> -> memref<1x128x128xf32, #tpu.memory_space<vmem>>
    %dma_start3A_514 = tpu.memref_squeeze %dma_start3A_513 : memref<1x128x128xf32, #tpu.memory_space<vmem>> -> memref<128x128xf32, #tpu.memory_space<vmem>>
    %dma_start3A_515 = arith.constant 0 : i32
    %dma_start3A_516 = tpu.memref_slice %arg2[%add3A_43, %dma_start3A_515] : memref<16384x128xf32, #tpu.memory_space<hbm>> -> memref<128x128xf32, #tpu.memory_space<hbm>>
    tpu.enqueue_dma source(%dma_start3A_516 : memref<128x128xf32, #tpu.memory_space<hbm>>) target(%dma_start3A_514 : memref<128x128xf32, #tpu.memory_space<vmem>>) target_semaphore(%dma_start3A_510 : memref<!tpu.dma_semaphore, #tpu.memory_space<semaphore_mem>>)
    %dma_start3A_517 = arith.constant 1 : i32
    %dma_start3A_518 = arith.constant 1 : i32
    %dma_start3A_519 = arith.constant 0 : i32
    %dma_start3A_520 = tpu.memref_slice %arg12[%dma_start3A_517, %dma_start3A_519] : memref<2x128xi32, #tpu.memory_space<vmem>> -> memref<1x128xi32, #tpu.memory_space<vmem>>
    %dma_start3A_521 = tpu.memref_squeeze %dma_start3A_520 : memref<1x128xi32, #tpu.memory_space<vmem>> -> memref<128xi32, #tpu.memory_space<vmem>>
    %dma_start3A_522 = tpu.memref_slice %arg3[%add3A_47] : memref<16384xi32, #tpu.memory_space<hbm>> -> memref<128xi32, #tpu.memory_space<hbm>>
    %dma_start3A_523 = tpu.memref_slice %arg16[%dma_start3A_518] : memref<2x!tpu.dma_semaphore, #tpu.memory_space<semaphore_mem>> -> memref<1x!tpu.dma_semaphore, #tpu.memory_space<semaphore_mem>>
    %dma_start3A_524 = tpu.memref_squeeze %dma_start3A_523 : memref<1x!tpu.dma_semaphore, #tpu.memory_space<semaphore_mem>> -> memref<!tpu.dma_semaphore, #tpu.memory_space<semaphore_mem>>
    %dma_start3A_525 = arith.constant 0 : i32
    %dma_start3A_526 = tpu.memref_slice %arg12[%dma_start3A_517, %dma_start3A_525] : memref<2x128xi32, #tpu.memory_space<vmem>> -> memref<1x128xi32, #tpu.memory_space<vmem>>
    %dma_start3A_527 = tpu.memref_squeeze %dma_start3A_526 : memref<1x128xi32, #tpu.memory_space<vmem>> -> memref<128xi32, #tpu.memory_space<vmem>>
    %dma_start3A_528 = tpu.memref_slice %arg3[%add3A_47] : memref<16384xi32, #tpu.memory_space<hbm>> -> memref<128xi32, #tpu.memory_space<hbm>>
    tpu.enqueue_dma source(%dma_start3A_528 : memref<128xi32, #tpu.memory_space<hbm>>) target(%dma_start3A_527 : memref<128xi32, #tpu.memory_space<vmem>>) target_semaphore(%dma_start3A_524 : memref<!tpu.dma_semaphore, #tpu.memory_space<semaphore_mem>>)
    %dma_wait3A_529 = arith.constant 1 : i32
    %dma_wait3A_530 = arith.constant 1 : i32
    %dma_wait3A_531 = arith.constant 0 : i32
    %dma_wait3A_532 = arith.constant 0 : i32
    %dma_wait3A_533 = tpu.memref_slice %arg11[%dma_wait3A_529, %dma_wait3A_531, %dma_wait3A_532] : memref<4x128x128xf32, #tpu.memory_space<vmem>> -> memref<1x128x128xf32, #tpu.memory_space<vmem>>
    %dma_wait3A_534 = tpu.memref_squeeze %dma_wait3A_533 : memref<1x128x128xf32, #tpu.memory_space<vmem>> -> memref<128x128xf32, #tpu.memory_space<vmem>>
    %dma_wait3A_535 = arith.constant 0 : i32
    %dma_wait3A_536 = tpu.memref_slice %arg6[%add3A_39, %dma_wait3A_535] : memref<16384x128xf32, #tpu.memory_space<hbm>> -> memref<128x128xf32, #tpu.memory_space<hbm>>
    %dma_wait3A_537 = tpu.memref_slice %arg14[%dma_wait3A_530] : memref<4x!tpu.dma_semaphore, #tpu.memory_space<semaphore_mem>> -> memref<1x!tpu.dma_semaphore, #tpu.memory_space<semaphore_mem>>
    %dma_wait3A_538 = tpu.memref_squeeze %dma_wait3A_537 : memref<1x!tpu.dma_semaphore, #tpu.memory_space<semaphore_mem>> -> memref<!tpu.dma_semaphore, #tpu.memory_space<semaphore_mem>>
    %dma_wait3A_539 = arith.constant 0 : i32
    %dma_wait3A_540 = arith.constant 0 : i32
    %dma_wait3A_541 = tpu.memref_slice %arg11[%dma_wait3A_529, %dma_wait3A_539, %dma_wait3A_540] : memref<4x128x128xf32, #tpu.memory_space<vmem>> -> memref<1x128x128xf32, #tpu.memory_space<vmem>>
    %dma_wait3A_542 = tpu.memref_squeeze %dma_wait3A_541 : memref<1x128x128xf32, #tpu.memory_space<vmem>> -> memref<128x128xf32, #tpu.memory_space<vmem>>
    %dma_wait3A_543 = arith.constant 0 : i32
    %dma_wait3A_544 = tpu.memref_slice %arg6[%add3A_39, %dma_wait3A_543] : memref<16384x128xf32, #tpu.memory_space<hbm>> -> memref<128x128xf32, #tpu.memory_space<hbm>>
    tpu.wait_dma2 semaphore(%dma_wait3A_538 : memref<!tpu.dma_semaphore, #tpu.memory_space<semaphore_mem>>) src(%dma_wait3A_544 : memref<128x128xf32, #tpu.memory_space<hbm>>) dst(%dma_wait3A_542 : memref<128x128xf32, #tpu.memory_space<vmem>>)
    %dma_start3A_545 = arith.constant 1 : i32
    %dma_start3A_546 = arith.constant 1 : i32
    %dma_start3A_547 = arith.constant 0 : i32
    %dma_start3A_548 = arith.constant 0 : i32
    %dma_start3A_549 = tpu.memref_slice %arg11[%dma_start3A_545, %dma_start3A_547, %dma_start3A_548] : memref<4x128x128xf32, #tpu.memory_space<vmem>> -> memref<1x128x128xf32, #tpu.memory_space<vmem>>
    %dma_start3A_550 = tpu.memref_squeeze %dma_start3A_549 : memref<1x128x128xf32, #tpu.memory_space<vmem>> -> memref<128x128xf32, #tpu.memory_space<vmem>>
    %dma_start3A_551 = arith.constant 0 : i32
    %dma_start3A_552 = tpu.memref_slice %arg9[%add3A_41, %dma_start3A_551] : memref<16384x128xf32, #tpu.memory_space<hbm>> -> memref<128x128xf32, #tpu.memory_space<hbm>>
    %dma_start3A_553 = tpu.memref_slice %arg15[%dma_start3A_546] : memref<4x!tpu.dma_semaphore, #tpu.memory_space<semaphore_mem>> -> memref<1x!tpu.dma_semaphore, #tpu.memory_space<semaphore_mem>>
    %dma_start3A_554 = tpu.memref_squeeze %dma_start3A_553 : memref<1x!tpu.dma_semaphore, #tpu.memory_space<semaphore_mem>> -> memref<!tpu.dma_semaphore, #tpu.memory_space<semaphore_mem>>
    %dma_start3A_555 = arith.constant 0 : i32
    %dma_start3A_556 = tpu.memref_slice %arg9[%add3A_41, %dma_start3A_555] : memref<16384x128xf32, #tpu.memory_space<hbm>> -> memref<128x128xf32, #tpu.memory_space<hbm>>
    %dma_start3A_557 = arith.constant 0 : i32
    %dma_start3A_558 = arith.constant 0 : i32
    %dma_start3A_559 = tpu.memref_slice %arg11[%dma_start3A_545, %dma_start3A_557, %dma_start3A_558] : memref<4x128x128xf32, #tpu.memory_space<vmem>> -> memref<1x128x128xf32, #tpu.memory_space<vmem>>
    %dma_start3A_560 = tpu.memref_squeeze %dma_start3A_559 : memref<1x128x128xf32, #tpu.memory_space<vmem>> -> memref<128x128xf32, #tpu.memory_space<vmem>>
    tpu.enqueue_dma source(%dma_start3A_560 : memref<128x128xf32, #tpu.memory_space<vmem>>) target(%dma_start3A_556 : memref<128x128xf32, #tpu.memory_space<hbm>>) target_semaphore(%dma_start3A_554 : memref<!tpu.dma_semaphore, #tpu.memory_space<semaphore_mem>>)
    %dma_wait3A_561 = arith.constant 3 : i32
    %dma_wait3A_562 = arith.constant 3 : i32
    %dma_wait3A_563 = arith.constant 0 : i32
    %dma_wait3A_564 = arith.constant 0 : i32
    %dma_wait3A_565 = tpu.memref_slice %arg11[%dma_wait3A_561, %dma_wait3A_563, %dma_wait3A_564] : memref<4x128x128xf32, #tpu.memory_space<vmem>> -> memref<1x128x128xf32, #tpu.memory_space<vmem>>
    %dma_wait3A_566 = tpu.memref_squeeze %dma_wait3A_565 : memref<1x128x128xf32, #tpu.memory_space<vmem>> -> memref<128x128xf32, #tpu.memory_space<vmem>>
    %dma_wait3A_567 = arith.constant 0 : i32
    %dma_wait3A_568 = tpu.memref_slice %arg9[%add3A_31, %dma_wait3A_567] : memref<16384x128xf32, #tpu.memory_space<hbm>> -> memref<128x128xf32, #tpu.memory_space<hbm>>
    %dma_wait3A_569 = tpu.memref_slice %arg15[%dma_wait3A_562] : memref<4x!tpu.dma_semaphore, #tpu.memory_space<semaphore_mem>> -> memref<1x!tpu.dma_semaphore, #tpu.memory_space<semaphore_mem>>
    %dma_wait3A_570 = tpu.memref_squeeze %dma_wait3A_569 : memref<1x!tpu.dma_semaphore, #tpu.memory_space<semaphore_mem>> -> memref<!tpu.dma_semaphore, #tpu.memory_space<semaphore_mem>>
    %dma_wait3A_571 = arith.constant 0 : i32
    %dma_wait3A_572 = tpu.memref_slice %arg9[%add3A_31, %dma_wait3A_571] : memref<16384x128xf32, #tpu.memory_space<hbm>> -> memref<128x128xf32, #tpu.memory_space<hbm>>
    %dma_wait3A_573 = arith.constant 0 : i32
    %dma_wait3A_574 = arith.constant 0 : i32
    %dma_wait3A_575 = tpu.memref_slice %arg11[%dma_wait3A_561, %dma_wait3A_573, %dma_wait3A_574] : memref<4x128x128xf32, #tpu.memory_space<vmem>> -> memref<1x128x128xf32, #tpu.memory_space<vmem>>
    %dma_wait3A_576 = tpu.memref_squeeze %dma_wait3A_575 : memref<1x128x128xf32, #tpu.memory_space<vmem>> -> memref<128x128xf32, #tpu.memory_space<vmem>>
    tpu.wait_dma2 semaphore(%dma_wait3A_570 : memref<!tpu.dma_semaphore, #tpu.memory_space<semaphore_mem>>) src(%dma_wait3A_576 : memref<128x128xf32, #tpu.memory_space<vmem>>) dst(%dma_wait3A_572 : memref<128x128xf32, #tpu.memory_space<hbm>>)
    %dma_start3A_577 = arith.constant 3 : i32
    %dma_start3A_578 = arith.constant 3 : i32
    %dma_start3A_579 = arith.constant 0 : i32
    %dma_start3A_580 = arith.constant 0 : i32
    %dma_start3A_581 = tpu.memref_slice %arg11[%dma_start3A_577, %dma_start3A_579, %dma_start3A_580] : memref<4x128x128xf32, #tpu.memory_space<vmem>> -> memref<1x128x128xf32, #tpu.memory_space<vmem>>
    %dma_start3A_582 = tpu.memref_squeeze %dma_start3A_581 : memref<1x128x128xf32, #tpu.memory_space<vmem>> -> memref<128x128xf32, #tpu.memory_space<vmem>>
    %dma_start3A_583 = arith.constant 0 : i32
    %dma_start3A_584 = tpu.memref_slice %arg6[%add3A_49, %dma_start3A_583] : memref<16384x128xf32, #tpu.memory_space<hbm>> -> memref<128x128xf32, #tpu.memory_space<hbm>>
    %dma_start3A_585 = tpu.memref_slice %arg14[%dma_start3A_578] : memref<4x!tpu.dma_semaphore, #tpu.memory_space<semaphore_mem>> -> memref<1x!tpu.dma_semaphore, #tpu.memory_space<semaphore_mem>>
    %dma_start3A_586 = tpu.memref_squeeze %dma_start3A_585 : memref<1x!tpu.dma_semaphore, #tpu.memory_space<semaphore_mem>> -> memref<!tpu.dma_semaphore, #tpu.memory_space<semaphore_mem>>
    %dma_start3A_587 = arith.constant 0 : i32
    %dma_start3A_588 = arith.constant 0 : i32
    %dma_start3A_589 = tpu.memref_slice %arg11[%dma_start3A_577, %dma_start3A_587, %dma_start3A_588] : memref<4x128x128xf32, #tpu.memory_space<vmem>> -> memref<1x128x128xf32, #tpu.memory_space<vmem>>
    %dma_start3A_590 = tpu.memref_squeeze %dma_start3A_589 : memref<1x128x128xf32, #tpu.memory_space<vmem>> -> memref<128x128xf32, #tpu.memory_space<vmem>>
    %dma_start3A_591 = arith.constant 0 : i32
    %dma_start3A_592 = tpu.memref_slice %arg6[%add3A_49, %dma_start3A_591] : memref<16384x128xf32, #tpu.memory_space<hbm>> -> memref<128x128xf32, #tpu.memory_space<hbm>>
    tpu.enqueue_dma source(%dma_start3A_592 : memref<128x128xf32, #tpu.memory_space<hbm>>) target(%dma_start3A_590 : memref<128x128xf32, #tpu.memory_space<vmem>>) target_semaphore(%dma_start3A_586 : memref<!tpu.dma_semaphore, #tpu.memory_space<semaphore_mem>>)
    %dma_wait3A_593 = arith.constant 2 : i32
    %dma_wait3A_594 = arith.constant 2 : i32
    %dma_wait3A_595 = arith.constant 0 : i32
    %dma_wait3A_596 = arith.constant 0 : i32
    %dma_wait3A_597 = tpu.memref_slice %arg11[%dma_wait3A_593, %dma_wait3A_595, %dma_wait3A_596] : memref<4x128x128xf32, #tpu.memory_space<vmem>> -> memref<1x128x128xf32, #tpu.memory_space<vmem>>
    %dma_wait3A_598 = tpu.memref_squeeze %dma_wait3A_597 : memref<1x128x128xf32, #tpu.memory_space<vmem>> -> memref<128x128xf32, #tpu.memory_space<vmem>>
    %dma_wait3A_599 = arith.constant 0 : i32
    %dma_wait3A_600 = tpu.memref_slice %arg2[%add3A_43, %dma_wait3A_599] : memref<16384x128xf32, #tpu.memory_space<hbm>> -> memref<128x128xf32, #tpu.memory_space<hbm>>
    %dma_wait3A_601 = tpu.memref_slice %arg14[%dma_wait3A_594] : memref<4x!tpu.dma_semaphore, #tpu.memory_space<semaphore_mem>> -> memref<1x!tpu.dma_semaphore, #tpu.memory_space<semaphore_mem>>
    %dma_wait3A_602 = tpu.memref_squeeze %dma_wait3A_601 : memref<1x!tpu.dma_semaphore, #tpu.memory_space<semaphore_mem>> -> memref<!tpu.dma_semaphore, #tpu.memory_space<semaphore_mem>>
    %dma_wait3A_603 = arith.constant 0 : i32
    %dma_wait3A_604 = arith.constant 0 : i32
    %dma_wait3A_605 = tpu.memref_slice %arg11[%dma_wait3A_593, %dma_wait3A_603, %dma_wait3A_604] : memref<4x128x128xf32, #tpu.memory_space<vmem>> -> memref<1x128x128xf32, #tpu.memory_space<vmem>>
    %dma_wait3A_606 = tpu.memref_squeeze %dma_wait3A_605 : memref<1x128x128xf32, #tpu.memory_space<vmem>> -> memref<128x128xf32, #tpu.memory_space<vmem>>
    %dma_wait3A_607 = arith.constant 0 : i32
    %dma_wait3A_608 = tpu.memref_slice %arg2[%add3A_43, %dma_wait3A_607] : memref<16384x128xf32, #tpu.memory_space<hbm>> -> memref<128x128xf32, #tpu.memory_space<hbm>>
    tpu.wait_dma2 semaphore(%dma_wait3A_602 : memref<!tpu.dma_semaphore, #tpu.memory_space<semaphore_mem>>) src(%dma_wait3A_608 : memref<128x128xf32, #tpu.memory_space<hbm>>) dst(%dma_wait3A_606 : memref<128x128xf32, #tpu.memory_space<vmem>>)
    %dma_wait3A_609 = arith.constant 1 : i32
    %dma_wait3A_610 = arith.constant 1 : i32
    %dma_wait3A_611 = arith.constant 0 : i32
    %dma_wait3A_612 = tpu.memref_slice %arg12[%dma_wait3A_609, %dma_wait3A_611] : memref<2x128xi32, #tpu.memory_space<vmem>> -> memref<1x128xi32, #tpu.memory_space<vmem>>
    %dma_wait3A_613 = tpu.memref_squeeze %dma_wait3A_612 : memref<1x128xi32, #tpu.memory_space<vmem>> -> memref<128xi32, #tpu.memory_space<vmem>>
    %dma_wait3A_614 = tpu.memref_slice %arg3[%add3A_47] : memref<16384xi32, #tpu.memory_space<hbm>> -> memref<128xi32, #tpu.memory_space<hbm>>
    %dma_wait3A_615 = tpu.memref_slice %arg16[%dma_wait3A_610] : memref<2x!tpu.dma_semaphore, #tpu.memory_space<semaphore_mem>> -> memref<1x!tpu.dma_semaphore, #tpu.memory_space<semaphore_mem>>
    %dma_wait3A_616 = tpu.memref_squeeze %dma_wait3A_615 : memref<1x!tpu.dma_semaphore, #tpu.memory_space<semaphore_mem>> -> memref<!tpu.dma_semaphore, #tpu.memory_space<semaphore_mem>>
    %dma_wait3A_617 = arith.constant 0 : i32
    %dma_wait3A_618 = tpu.memref_slice %arg12[%dma_wait3A_609, %dma_wait3A_617] : memref<2x128xi32, #tpu.memory_space<vmem>> -> memref<1x128xi32, #tpu.memory_space<vmem>>
    %dma_wait3A_619 = tpu.memref_squeeze %dma_wait3A_618 : memref<1x128xi32, #tpu.memory_space<vmem>> -> memref<128xi32, #tpu.memory_space<vmem>>
    %dma_wait3A_620 = tpu.memref_slice %arg3[%add3A_47] : memref<16384xi32, #tpu.memory_space<hbm>> -> memref<128xi32, #tpu.memory_space<hbm>>
    tpu.wait_dma2 semaphore(%dma_wait3A_616 : memref<!tpu.dma_semaphore, #tpu.memory_space<semaphore_mem>>) src(%dma_wait3A_620 : memref<128xi32, #tpu.memory_space<hbm>>) dst(%dma_wait3A_619 : memref<128xi32, #tpu.memory_space<vmem>>)
    %dma_start3A_621 = arith.constant 2 : i32
    %dma_start3A_622 = arith.constant 1 : i32
    %dma_start3A_623 = arith.constant 1 : i32
    %dma_start3A_624 = arith.constant 0 : i32
    %dma_start3A_625 = arith.constant 0 : i32
    %dma_start3A_626 = tpu.memref_slice %arg11[%dma_start3A_621, %dma_start3A_624, %dma_start3A_625] : memref<4x128x128xf32, #tpu.memory_space<vmem>> -> memref<1x128x128xf32, #tpu.memory_space<vmem>>
    %dma_start3A_627 = tpu.memref_squeeze %dma_start3A_626 : memref<1x128x128xf32, #tpu.memory_space<vmem>> -> memref<128x128xf32, #tpu.memory_space<vmem>>
    %dma_start3A_628 = arith.constant 0 : i32
    %dma_start3A_629 = tpu.memref_slice %arg12[%dma_start3A_622, %dma_start3A_628] : memref<2x128xi32, #tpu.memory_space<vmem>> -> memref<1x128xi32, #tpu.memory_space<vmem>>
    %dma_start3A_630 = tpu.memref_squeeze %dma_start3A_629 : memref<1x128xi32, #tpu.memory_space<vmem>> -> memref<128xi32, #tpu.memory_space<vmem>>
    %dma_start3A_631 = arith.constant 0 : i32
    %dma_start3A_632 = arith.constant 0 : i32
    %dma_start3A_633 = tpu.memref_slice %arg18[%dma_start3A_631, %dma_start3A_632] : memref<16x128xf32, #tpu.memory_space<vmem_shared>> -> memref<16x128xf32, #tpu.memory_space<vmem_shared>>
    %dma_start3A_634 = tpu.memref_slice %arg17[%dma_start3A_623] : memref<2x!tpu.dma_semaphore, #tpu.memory_space<semaphore_mem>> -> memref<1x!tpu.dma_semaphore, #tpu.memory_space<semaphore_mem>>
    %dma_start3A_635 = tpu.memref_squeeze %dma_start3A_634 : memref<1x!tpu.dma_semaphore, #tpu.memory_space<semaphore_mem>> -> memref<!tpu.dma_semaphore, #tpu.memory_space<semaphore_mem>>
    tpu.enqueue_indirect_dma source(%dma_start3A_627 : memref<128x128xf32, #tpu.memory_space<vmem>>) target(%dma_start3A_633 : memref<16x128xf32, #tpu.memory_space<vmem_shared>>) offsets(%dma_start3A_630 : memref<128xi32, #tpu.memory_space<vmem>>) semaphore(%dma_start3A_635 : memref<!tpu.dma_semaphore, #tpu.memory_space<semaphore_mem>>) {add = true}
    %dma_start3A_636 = arith.constant 2 : i32
    %dma_start3A_637 = arith.constant 2 : i32
    %dma_start3A_638 = arith.constant 0 : i32
    %dma_start3A_639 = arith.constant 0 : i32
    %dma_start3A_640 = tpu.memref_slice %arg11[%dma_start3A_636, %dma_start3A_638, %dma_start3A_639] : memref<4x128x128xf32, #tpu.memory_space<vmem>> -> memref<1x128x128xf32, #tpu.memory_space<vmem>>
    %dma_start3A_641 = tpu.memref_squeeze %dma_start3A_640 : memref<1x128x128xf32, #tpu.memory_space<vmem>> -> memref<128x128xf32, #tpu.memory_space<vmem>>
    %dma_start3A_642 = arith.constant 0 : i32
    %dma_start3A_643 = tpu.memref_slice %arg8[%add3A_45, %dma_start3A_642] : memref<16384x128xf32, #tpu.memory_space<hbm>> -> memref<128x128xf32, #tpu.memory_space<hbm>>
    %dma_start3A_644 = tpu.memref_slice %arg15[%dma_start3A_637] : memref<4x!tpu.dma_semaphore, #tpu.memory_space<semaphore_mem>> -> memref<1x!tpu.dma_semaphore, #tpu.memory_space<semaphore_mem>>
    %dma_start3A_645 = tpu.memref_squeeze %dma_start3A_644 : memref<1x!tpu.dma_semaphore, #tpu.memory_space<semaphore_mem>> -> memref<!tpu.dma_semaphore, #tpu.memory_space<semaphore_mem>>
    %dma_start3A_646 = arith.constant 0 : i32
    %dma_start3A_647 = tpu.memref_slice %arg8[%add3A_45, %dma_start3A_646] : memref<16384x128xf32, #tpu.memory_space<hbm>> -> memref<128x128xf32, #tpu.memory_space<hbm>>
    %dma_start3A_648 = arith.constant 0 : i32
    %dma_start3A_649 = arith.constant 0 : i32
    %dma_start3A_650 = tpu.memref_slice %arg11[%dma_start3A_636, %dma_start3A_648, %dma_start3A_649] : memref<4x128x128xf32, #tpu.memory_space<vmem>> -> memref<1x128x128xf32, #tpu.memory_space<vmem>>
    %dma_start3A_651 = tpu.memref_squeeze %dma_start3A_650 : memref<1x128x128xf32, #tpu.memory_space<vmem>> -> memref<128x128xf32, #tpu.memory_space<vmem>>
    tpu.enqueue_dma source(%dma_start3A_651 : memref<128x128xf32, #tpu.memory_space<vmem>>) target(%dma_start3A_647 : memref<128x128xf32, #tpu.memory_space<hbm>>) target_semaphore(%dma_start3A_645 : memref<!tpu.dma_semaphore, #tpu.memory_space<semaphore_mem>>)
    %dma_wait3A_652 = arith.constant 0 : i32
    %dma_wait3A_653 = arith.constant 0 : i32
    %dma_wait3A_654 = arith.constant 0 : i32
    %dma_wait3A_655 = arith.constant 0 : i32
    %dma_wait3A_656 = tpu.memref_slice %arg11[%dma_wait3A_652, %dma_wait3A_654, %dma_wait3A_655] : memref<4x128x128xf32, #tpu.memory_space<vmem>> -> memref<1x128x128xf32, #tpu.memory_space<vmem>>
    %dma_wait3A_657 = tpu.memref_squeeze %dma_wait3A_656 : memref<1x128x128xf32, #tpu.memory_space<vmem>> -> memref<128x128xf32, #tpu.memory_space<vmem>>
    %dma_wait3A_658 = arith.constant 0 : i32
    %dma_wait3A_659 = tpu.memref_slice %arg8[%add3A_35, %dma_wait3A_658] : memref<16384x128xf32, #tpu.memory_space<hbm>> -> memref<128x128xf32, #tpu.memory_space<hbm>>
    %dma_wait3A_660 = tpu.memref_slice %arg15[%dma_wait3A_653] : memref<4x!tpu.dma_semaphore, #tpu.memory_space<semaphore_mem>> -> memref<1x!tpu.dma_semaphore, #tpu.memory_space<semaphore_mem>>
    %dma_wait3A_661 = tpu.memref_squeeze %dma_wait3A_660 : memref<1x!tpu.dma_semaphore, #tpu.memory_space<semaphore_mem>> -> memref<!tpu.dma_semaphore, #tpu.memory_space<semaphore_mem>>
    %dma_wait3A_662 = arith.constant 0 : i32
    %dma_wait3A_663 = tpu.memref_slice %arg8[%add3A_35, %dma_wait3A_662] : memref<16384x128xf32, #tpu.memory_space<hbm>> -> memref<128x128xf32, #tpu.memory_space<hbm>>
    %dma_wait3A_664 = arith.constant 0 : i32
    %dma_wait3A_665 = arith.constant 0 : i32
    %dma_wait3A_666 = tpu.memref_slice %arg11[%dma_wait3A_652, %dma_wait3A_664, %dma_wait3A_665] : memref<4x128x128xf32, #tpu.memory_space<vmem>> -> memref<1x128x128xf32, #tpu.memory_space<vmem>>
    %dma_wait3A_667 = tpu.memref_squeeze %dma_wait3A_666 : memref<1x128x128xf32, #tpu.memory_space<vmem>> -> memref<128x128xf32, #tpu.memory_space<vmem>>
    tpu.wait_dma2 semaphore(%dma_wait3A_661 : memref<!tpu.dma_semaphore, #tpu.memory_space<semaphore_mem>>) src(%dma_wait3A_667 : memref<128x128xf32, #tpu.memory_space<vmem>>) dst(%dma_wait3A_663 : memref<128x128xf32, #tpu.memory_space<hbm>>)
    %dma_wait3A_668 = arith.constant 0 : i32
    %dma_wait3A_669 = arith.constant 0 : i32
    %dma_wait3A_670 = arith.constant 0 : i32
    %dma_wait3A_671 = arith.constant 0 : i32
    %dma_wait3A_672 = arith.constant 0 : i32
    %dma_wait3A_673 = tpu.memref_slice %arg11[%dma_wait3A_668, %dma_wait3A_671, %dma_wait3A_672] : memref<4x128x128xf32, #tpu.memory_space<vmem>> -> memref<1x128x128xf32, #tpu.memory_space<vmem>>
    %dma_wait3A_674 = tpu.memref_squeeze %dma_wait3A_673 : memref<1x128x128xf32, #tpu.memory_space<vmem>> -> memref<128x128xf32, #tpu.memory_space<vmem>>
    %dma_wait3A_675 = arith.constant 0 : i32
    %dma_wait3A_676 = tpu.memref_slice %arg12[%dma_wait3A_669, %dma_wait3A_675] : memref<2x128xi32, #tpu.memory_space<vmem>> -> memref<1x128xi32, #tpu.memory_space<vmem>>
    %dma_wait3A_677 = tpu.memref_squeeze %dma_wait3A_676 : memref<1x128xi32, #tpu.memory_space<vmem>> -> memref<128xi32, #tpu.memory_space<vmem>>
    %dma_wait3A_678 = arith.constant 0 : i32
    %dma_wait3A_679 = arith.constant 0 : i32
    %dma_wait3A_680 = tpu.memref_slice %arg18[%dma_wait3A_678, %dma_wait3A_679] : memref<16x128xf32, #tpu.memory_space<vmem_shared>> -> memref<16x128xf32, #tpu.memory_space<vmem_shared>>
    %dma_wait3A_681 = tpu.memref_slice %arg17[%dma_wait3A_670] : memref<2x!tpu.dma_semaphore, #tpu.memory_space<semaphore_mem>> -> memref<1x!tpu.dma_semaphore, #tpu.memory_space<semaphore_mem>>
    %dma_wait3A_682 = tpu.memref_squeeze %dma_wait3A_681 : memref<1x!tpu.dma_semaphore, #tpu.memory_space<semaphore_mem>> -> memref<!tpu.dma_semaphore, #tpu.memory_space<semaphore_mem>>
    tpu.wait_indirect_dma semaphore(%dma_wait3A_682 : memref<!tpu.dma_semaphore, #tpu.memory_space<semaphore_mem>>) src(%dma_wait3A_674 : memref<128x128xf32, #tpu.memory_space<vmem>>) dst(%dma_wait3A_680 : memref<16x128xf32, #tpu.memory_space<vmem_shared>>)
    %dma_start3A_683 = arith.constant 0 : i32
    %dma_start3A_684 = arith.constant 0 : i32
    %dma_start3A_685 = arith.constant 0 : i32
    %dma_start3A_686 = arith.constant 0 : i32
    %dma_start3A_687 = tpu.memref_slice %arg11[%dma_start3A_683, %dma_start3A_685, %dma_start3A_686] : memref<4x128x128xf32, #tpu.memory_space<vmem>> -> memref<1x128x128xf32, #tpu.memory_space<vmem>>
    %dma_start3A_688 = tpu.memref_squeeze %dma_start3A_687 : memref<1x128x128xf32, #tpu.memory_space<vmem>> -> memref<128x128xf32, #tpu.memory_space<vmem>>
    %dma_start3A_689 = arith.constant 0 : i32
    %dma_start3A_690 = tpu.memref_slice %arg4[%mul3A_11, %dma_start3A_689] : memref<4096x128xf32, #tpu.memory_space<hbm>> -> memref<128x128xf32, #tpu.memory_space<hbm>>
    %dma_start3A_691 = tpu.memref_slice %arg14[%dma_start3A_684] : memref<4x!tpu.dma_semaphore, #tpu.memory_space<semaphore_mem>> -> memref<1x!tpu.dma_semaphore, #tpu.memory_space<semaphore_mem>>
    %dma_start3A_692 = tpu.memref_squeeze %dma_start3A_691 : memref<1x!tpu.dma_semaphore, #tpu.memory_space<semaphore_mem>> -> memref<!tpu.dma_semaphore, #tpu.memory_space<semaphore_mem>>
    %dma_start3A_693 = arith.constant 0 : i32
    %dma_start3A_694 = arith.constant 0 : i32
    %dma_start3A_695 = tpu.memref_slice %arg11[%dma_start3A_683, %dma_start3A_693, %dma_start3A_694] : memref<4x128x128xf32, #tpu.memory_space<vmem>> -> memref<1x128x128xf32, #tpu.memory_space<vmem>>
    %dma_start3A_696 = tpu.memref_squeeze %dma_start3A_695 : memref<1x128x128xf32, #tpu.memory_space<vmem>> -> memref<128x128xf32, #tpu.memory_space<vmem>>
    %dma_start3A_697 = arith.constant 0 : i32
    %dma_start3A_698 = tpu.memref_slice %arg4[%mul3A_11, %dma_start3A_697] : memref<4096x128xf32, #tpu.memory_space<hbm>> -> memref<128x128xf32, #tpu.memory_space<hbm>>
    tpu.enqueue_dma source(%dma_start3A_698 : memref<128x128xf32, #tpu.memory_space<hbm>>) target(%dma_start3A_696 : memref<128x128xf32, #tpu.memory_space<vmem>>) target_semaphore(%dma_start3A_692 : memref<!tpu.dma_semaphore, #tpu.memory_space<semaphore_mem>>)
    %dma_start3A_699 = arith.constant 0 : i32
    %dma_start3A_700 = arith.constant 0 : i32
    %dma_start3A_701 = arith.constant 0 : i32
    %dma_start3A_702 = tpu.memref_slice %arg12[%dma_start3A_699, %dma_start3A_701] : memref<2x128xi32, #tpu.memory_space<vmem>> -> memref<1x128xi32, #tpu.memory_space<vmem>>
    %dma_start3A_703 = tpu.memref_squeeze %dma_start3A_702 : memref<1x128xi32, #tpu.memory_space<vmem>> -> memref<128xi32, #tpu.memory_space<vmem>>
    %dma_start3A_704 = tpu.memref_slice %arg5[%mul3A_11] : memref<4096xi32, #tpu.memory_space<hbm>> -> memref<128xi32, #tpu.memory_space<hbm>>
    %dma_start3A_705 = tpu.memref_slice %arg16[%dma_start3A_700] : memref<2x!tpu.dma_semaphore, #tpu.memory_space<semaphore_mem>> -> memref<1x!tpu.dma_semaphore, #tpu.memory_space<semaphore_mem>>
    %dma_start3A_706 = tpu.memref_squeeze %dma_start3A_705 : memref<1x!tpu.dma_semaphore, #tpu.memory_space<semaphore_mem>> -> memref<!tpu.dma_semaphore, #tpu.memory_space<semaphore_mem>>
    %dma_start3A_707 = arith.constant 0 : i32
    %dma_start3A_708 = tpu.memref_slice %arg12[%dma_start3A_699, %dma_start3A_707] : memref<2x128xi32, #tpu.memory_space<vmem>> -> memref<1x128xi32, #tpu.memory_space<vmem>>
    %dma_start3A_709 = tpu.memref_squeeze %dma_start3A_708 : memref<1x128xi32, #tpu.memory_space<vmem>> -> memref<128xi32, #tpu.memory_space<vmem>>
    %dma_start3A_710 = tpu.memref_slice %arg5[%mul3A_11] : memref<4096xi32, #tpu.memory_space<hbm>> -> memref<128xi32, #tpu.memory_space<hbm>>
    tpu.enqueue_dma source(%dma_start3A_710 : memref<128xi32, #tpu.memory_space<hbm>>) target(%dma_start3A_709 : memref<128xi32, #tpu.memory_space<vmem>>) target_semaphore(%dma_start3A_706 : memref<!tpu.dma_semaphore, #tpu.memory_space<semaphore_mem>>)
    %dma_wait3A_711 = arith.constant 3 : i32
    %dma_wait3A_712 = arith.constant 3 : i32
    %dma_wait3A_713 = arith.constant 0 : i32
    %dma_wait3A_714 = arith.constant 0 : i32
    %dma_wait3A_715 = tpu.memref_slice %arg11[%dma_wait3A_711, %dma_wait3A_713, %dma_wait3A_714] : memref<4x128x128xf32, #tpu.memory_space<vmem>> -> memref<1x128x128xf32, #tpu.memory_space<vmem>>
    %dma_wait3A_716 = tpu.memref_squeeze %dma_wait3A_715 : memref<1x128x128xf32, #tpu.memory_space<vmem>> -> memref<128x128xf32, #tpu.memory_space<vmem>>
    %dma_wait3A_717 = arith.constant 0 : i32
    %dma_wait3A_718 = tpu.memref_slice %arg6[%add3A_49, %dma_wait3A_717] : memref<16384x128xf32, #tpu.memory_space<hbm>> -> memref<128x128xf32, #tpu.memory_space<hbm>>
    %dma_wait3A_719 = tpu.memref_slice %arg14[%dma_wait3A_712] : memref<4x!tpu.dma_semaphore, #tpu.memory_space<semaphore_mem>> -> memref<1x!tpu.dma_semaphore, #tpu.memory_space<semaphore_mem>>
    %dma_wait3A_720 = tpu.memref_squeeze %dma_wait3A_719 : memref<1x!tpu.dma_semaphore, #tpu.memory_space<semaphore_mem>> -> memref<!tpu.dma_semaphore, #tpu.memory_space<semaphore_mem>>
    %dma_wait3A_721 = arith.constant 0 : i32
    %dma_wait3A_722 = arith.constant 0 : i32
    %dma_wait3A_723 = tpu.memref_slice %arg11[%dma_wait3A_711, %dma_wait3A_721, %dma_wait3A_722] : memref<4x128x128xf32, #tpu.memory_space<vmem>> -> memref<1x128x128xf32, #tpu.memory_space<vmem>>
    %dma_wait3A_724 = tpu.memref_squeeze %dma_wait3A_723 : memref<1x128x128xf32, #tpu.memory_space<vmem>> -> memref<128x128xf32, #tpu.memory_space<vmem>>
    %dma_wait3A_725 = arith.constant 0 : i32
    %dma_wait3A_726 = tpu.memref_slice %arg6[%add3A_49, %dma_wait3A_725] : memref<16384x128xf32, #tpu.memory_space<hbm>> -> memref<128x128xf32, #tpu.memory_space<hbm>>
    tpu.wait_dma2 semaphore(%dma_wait3A_720 : memref<!tpu.dma_semaphore, #tpu.memory_space<semaphore_mem>>) src(%dma_wait3A_726 : memref<128x128xf32, #tpu.memory_space<hbm>>) dst(%dma_wait3A_724 : memref<128x128xf32, #tpu.memory_space<vmem>>)
    %dma_start3A_727 = arith.constant 3 : i32
    %dma_start3A_728 = arith.constant 3 : i32
    %dma_start3A_729 = arith.constant 0 : i32
    %dma_start3A_730 = arith.constant 0 : i32
    %dma_start3A_731 = tpu.memref_slice %arg11[%dma_start3A_727, %dma_start3A_729, %dma_start3A_730] : memref<4x128x128xf32, #tpu.memory_space<vmem>> -> memref<1x128x128xf32, #tpu.memory_space<vmem>>
    %dma_start3A_732 = tpu.memref_squeeze %dma_start3A_731 : memref<1x128x128xf32, #tpu.memory_space<vmem>> -> memref<128x128xf32, #tpu.memory_space<vmem>>
    %dma_start3A_733 = arith.constant 0 : i32
    %dma_start3A_734 = tpu.memref_slice %arg9[%add3A_51, %dma_start3A_733] : memref<16384x128xf32, #tpu.memory_space<hbm>> -> memref<128x128xf32, #tpu.memory_space<hbm>>
    %dma_start3A_735 = tpu.memref_slice %arg15[%dma_start3A_728] : memref<4x!tpu.dma_semaphore, #tpu.memory_space<semaphore_mem>> -> memref<1x!tpu.dma_semaphore, #tpu.memory_space<semaphore_mem>>
    %dma_start3A_736 = tpu.memref_squeeze %dma_start3A_735 : memref<1x!tpu.dma_semaphore, #tpu.memory_space<semaphore_mem>> -> memref<!tpu.dma_semaphore, #tpu.memory_space<semaphore_mem>>
    %dma_start3A_737 = arith.constant 0 : i32
    %dma_start3A_738 = tpu.memref_slice %arg9[%add3A_51, %dma_start3A_737] : memref<16384x128xf32, #tpu.memory_space<hbm>> -> memref<128x128xf32, #tpu.memory_space<hbm>>
    %dma_start3A_739 = arith.constant 0 : i32
    %dma_start3A_740 = arith.constant 0 : i32
    %dma_start3A_741 = tpu.memref_slice %arg11[%dma_start3A_727, %dma_start3A_739, %dma_start3A_740] : memref<4x128x128xf32, #tpu.memory_space<vmem>> -> memref<1x128x128xf32, #tpu.memory_space<vmem>>
    %dma_start3A_742 = tpu.memref_squeeze %dma_start3A_741 : memref<1x128x128xf32, #tpu.memory_space<vmem>> -> memref<128x128xf32, #tpu.memory_space<vmem>>
    tpu.enqueue_dma source(%dma_start3A_742 : memref<128x128xf32, #tpu.memory_space<vmem>>) target(%dma_start3A_738 : memref<128x128xf32, #tpu.memory_space<hbm>>) target_semaphore(%dma_start3A_736 : memref<!tpu.dma_semaphore, #tpu.memory_space<semaphore_mem>>)
    %dma_wait3A_743 = arith.constant 0 : i32
    %dma_wait3A_744 = arith.constant 0 : i32
    %dma_wait3A_745 = arith.constant 0 : i32
    %dma_wait3A_746 = arith.constant 0 : i32
    %dma_wait3A_747 = tpu.memref_slice %arg11[%dma_wait3A_743, %dma_wait3A_745, %dma_wait3A_746] : memref<4x128x128xf32, #tpu.memory_space<vmem>> -> memref<1x128x128xf32, #tpu.memory_space<vmem>>
    %dma_wait3A_748 = tpu.memref_squeeze %dma_wait3A_747 : memref<1x128x128xf32, #tpu.memory_space<vmem>> -> memref<128x128xf32, #tpu.memory_space<vmem>>
    %dma_wait3A_749 = arith.constant 0 : i32
    %dma_wait3A_750 = tpu.memref_slice %arg4[%mul3A_11, %dma_wait3A_749] : memref<4096x128xf32, #tpu.memory_space<hbm>> -> memref<128x128xf32, #tpu.memory_space<hbm>>
    %dma_wait3A_751 = tpu.memref_slice %arg14[%dma_wait3A_744] : memref<4x!tpu.dma_semaphore, #tpu.memory_space<semaphore_mem>> -> memref<1x!tpu.dma_semaphore, #tpu.memory_space<semaphore_mem>>
    %dma_wait3A_752 = tpu.memref_squeeze %dma_wait3A_751 : memref<1x!tpu.dma_semaphore, #tpu.memory_space<semaphore_mem>> -> memref<!tpu.dma_semaphore, #tpu.memory_space<semaphore_mem>>
    %dma_wait3A_753 = arith.constant 0 : i32
    %dma_wait3A_754 = arith.constant 0 : i32
    %dma_wait3A_755 = tpu.memref_slice %arg11[%dma_wait3A_743, %dma_wait3A_753, %dma_wait3A_754] : memref<4x128x128xf32, #tpu.memory_space<vmem>> -> memref<1x128x128xf32, #tpu.memory_space<vmem>>
    %dma_wait3A_756 = tpu.memref_squeeze %dma_wait3A_755 : memref<1x128x128xf32, #tpu.memory_space<vmem>> -> memref<128x128xf32, #tpu.memory_space<vmem>>
    %dma_wait3A_757 = arith.constant 0 : i32
    %dma_wait3A_758 = tpu.memref_slice %arg4[%mul3A_11, %dma_wait3A_757] : memref<4096x128xf32, #tpu.memory_space<hbm>> -> memref<128x128xf32, #tpu.memory_space<hbm>>
    tpu.wait_dma2 semaphore(%dma_wait3A_752 : memref<!tpu.dma_semaphore, #tpu.memory_space<semaphore_mem>>) src(%dma_wait3A_758 : memref<128x128xf32, #tpu.memory_space<hbm>>) dst(%dma_wait3A_756 : memref<128x128xf32, #tpu.memory_space<vmem>>)
    %dma_wait3A_759 = arith.constant 0 : i32
    %dma_wait3A_760 = arith.constant 0 : i32
    %dma_wait3A_761 = arith.constant 0 : i32
    %dma_wait3A_762 = tpu.memref_slice %arg12[%dma_wait3A_759, %dma_wait3A_761] : memref<2x128xi32, #tpu.memory_space<vmem>> -> memref<1x128xi32, #tpu.memory_space<vmem>>
    %dma_wait3A_763 = tpu.memref_squeeze %dma_wait3A_762 : memref<1x128xi32, #tpu.memory_space<vmem>> -> memref<128xi32, #tpu.memory_space<vmem>>
    %dma_wait3A_764 = tpu.memref_slice %arg5[%mul3A_11] : memref<4096xi32, #tpu.memory_space<hbm>> -> memref<128xi32, #tpu.memory_space<hbm>>
    %dma_wait3A_765 = tpu.memref_slice %arg16[%dma_wait3A_760] : memref<2x!tpu.dma_semaphore, #tpu.memory_space<semaphore_mem>> -> memref<1x!tpu.dma_semaphore, #tpu.memory_space<semaphore_mem>>
    %dma_wait3A_766 = tpu.memref_squeeze %dma_wait3A_765 : memref<1x!tpu.dma_semaphore, #tpu.memory_space<semaphore_mem>> -> memref<!tpu.dma_semaphore, #tpu.memory_space<semaphore_mem>>
    %dma_wait3A_767 = arith.constant 0 : i32
    %dma_wait3A_768 = tpu.memref_slice %arg12[%dma_wait3A_759, %dma_wait3A_767] : memref<2x128xi32, #tpu.memory_space<vmem>> -> memref<1x128xi32, #tpu.memory_space<vmem>>
    %dma_wait3A_769 = tpu.memref_squeeze %dma_wait3A_768 : memref<1x128xi32, #tpu.memory_space<vmem>> -> memref<128xi32, #tpu.memory_space<vmem>>
    %dma_wait3A_770 = tpu.memref_slice %arg5[%mul3A_11] : memref<4096xi32, #tpu.memory_space<hbm>> -> memref<128xi32, #tpu.memory_space<hbm>>
    tpu.wait_dma2 semaphore(%dma_wait3A_766 : memref<!tpu.dma_semaphore, #tpu.memory_space<semaphore_mem>>) src(%dma_wait3A_770 : memref<128xi32, #tpu.memory_space<hbm>>) dst(%dma_wait3A_769 : memref<128xi32, #tpu.memory_space<vmem>>)
    %dma_start3A_771 = arith.constant 0 : i32
    %dma_start3A_772 = arith.constant 0 : i32
    %dma_start3A_773 = arith.constant 0 : i32
    %dma_start3A_774 = arith.constant 0 : i32
    %dma_start3A_775 = arith.constant 0 : i32
    %dma_start3A_776 = tpu.memref_slice %arg11[%dma_start3A_771, %dma_start3A_774, %dma_start3A_775] : memref<4x128x128xf32, #tpu.memory_space<vmem>> -> memref<1x128x128xf32, #tpu.memory_space<vmem>>
    %dma_start3A_777 = tpu.memref_squeeze %dma_start3A_776 : memref<1x128x128xf32, #tpu.memory_space<vmem>> -> memref<128x128xf32, #tpu.memory_space<vmem>>
    %dma_start3A_778 = arith.constant 0 : i32
    %dma_start3A_779 = tpu.memref_slice %arg12[%dma_start3A_772, %dma_start3A_778] : memref<2x128xi32, #tpu.memory_space<vmem>> -> memref<1x128xi32, #tpu.memory_space<vmem>>
    %dma_start3A_780 = tpu.memref_squeeze %dma_start3A_779 : memref<1x128xi32, #tpu.memory_space<vmem>> -> memref<128xi32, #tpu.memory_space<vmem>>
    %dma_start3A_781 = arith.constant 0 : i32
    %dma_start3A_782 = arith.constant 0 : i32
    %dma_start3A_783 = tpu.memref_slice %arg18[%dma_start3A_781, %dma_start3A_782] : memref<16x128xf32, #tpu.memory_space<vmem_shared>> -> memref<16x128xf32, #tpu.memory_space<vmem_shared>>
    %dma_start3A_784 = tpu.memref_slice %arg17[%dma_start3A_773] : memref<2x!tpu.dma_semaphore, #tpu.memory_space<semaphore_mem>> -> memref<1x!tpu.dma_semaphore, #tpu.memory_space<semaphore_mem>>
    %dma_start3A_785 = tpu.memref_squeeze %dma_start3A_784 : memref<1x!tpu.dma_semaphore, #tpu.memory_space<semaphore_mem>> -> memref<!tpu.dma_semaphore, #tpu.memory_space<semaphore_mem>>
    tpu.enqueue_indirect_dma source(%dma_start3A_777 : memref<128x128xf32, #tpu.memory_space<vmem>>) target(%dma_start3A_783 : memref<16x128xf32, #tpu.memory_space<vmem_shared>>) offsets(%dma_start3A_780 : memref<128xi32, #tpu.memory_space<vmem>>) semaphore(%dma_start3A_785 : memref<!tpu.dma_semaphore, #tpu.memory_space<semaphore_mem>>) {add = true}
    %dma_start3A_786 = arith.constant 0 : i32
    %dma_start3A_787 = arith.constant 0 : i32
    %dma_start3A_788 = arith.constant 0 : i32
    %dma_start3A_789 = arith.constant 0 : i32
    %dma_start3A_790 = tpu.memref_slice %arg11[%dma_start3A_786, %dma_start3A_788, %dma_start3A_789] : memref<4x128x128xf32, #tpu.memory_space<vmem>> -> memref<1x128x128xf32, #tpu.memory_space<vmem>>
    %dma_start3A_791 = tpu.memref_squeeze %dma_start3A_790 : memref<1x128x128xf32, #tpu.memory_space<vmem>> -> memref<128x128xf32, #tpu.memory_space<vmem>>
    %dma_start3A_792 = arith.constant 0 : i32
    %dma_start3A_793 = tpu.memref_slice %arg10[%mul3A_11, %dma_start3A_792] : memref<4096x128xf32, #tpu.memory_space<hbm>> -> memref<128x128xf32, #tpu.memory_space<hbm>>
    %dma_start3A_794 = tpu.memref_slice %arg15[%dma_start3A_787] : memref<4x!tpu.dma_semaphore, #tpu.memory_space<semaphore_mem>> -> memref<1x!tpu.dma_semaphore, #tpu.memory_space<semaphore_mem>>
    %dma_start3A_795 = tpu.memref_squeeze %dma_start3A_794 : memref<1x!tpu.dma_semaphore, #tpu.memory_space<semaphore_mem>> -> memref<!tpu.dma_semaphore, #tpu.memory_space<semaphore_mem>>
    %dma_start3A_796 = arith.constant 0 : i32
    %dma_start3A_797 = tpu.memref_slice %arg10[%mul3A_11, %dma_start3A_796] : memref<4096x128xf32, #tpu.memory_space<hbm>> -> memref<128x128xf32, #tpu.memory_space<hbm>>
    %dma_start3A_798 = arith.constant 0 : i32
    %dma_start3A_799 = arith.constant 0 : i32
    %dma_start3A_800 = tpu.memref_slice %arg11[%dma_start3A_786, %dma_start3A_798, %dma_start3A_799] : memref<4x128x128xf32, #tpu.memory_space<vmem>> -> memref<1x128x128xf32, #tpu.memory_space<vmem>>
    %dma_start3A_801 = tpu.memref_squeeze %dma_start3A_800 : memref<1x128x128xf32, #tpu.memory_space<vmem>> -> memref<128x128xf32, #tpu.memory_space<vmem>>
    tpu.enqueue_dma source(%dma_start3A_801 : memref<128x128xf32, #tpu.memory_space<vmem>>) target(%dma_start3A_797 : memref<128x128xf32, #tpu.memory_space<hbm>>) target_semaphore(%dma_start3A_795 : memref<!tpu.dma_semaphore, #tpu.memory_space<semaphore_mem>>)
    %dma_wait3A_802 = arith.constant 1 : i32
    %dma_wait3A_803 = arith.constant 1 : i32
    %dma_wait3A_804 = arith.constant 0 : i32
    %dma_wait3A_805 = arith.constant 0 : i32
    %dma_wait3A_806 = tpu.memref_slice %arg11[%dma_wait3A_802, %dma_wait3A_804, %dma_wait3A_805] : memref<4x128x128xf32, #tpu.memory_space<vmem>> -> memref<1x128x128xf32, #tpu.memory_space<vmem>>
    %dma_wait3A_807 = tpu.memref_squeeze %dma_wait3A_806 : memref<1x128x128xf32, #tpu.memory_space<vmem>> -> memref<128x128xf32, #tpu.memory_space<vmem>>
    %dma_wait3A_808 = arith.constant 0 : i32
    %dma_wait3A_809 = tpu.memref_slice %arg9[%add3A_41, %dma_wait3A_808] : memref<16384x128xf32, #tpu.memory_space<hbm>> -> memref<128x128xf32, #tpu.memory_space<hbm>>
    %dma_wait3A_810 = tpu.memref_slice %arg15[%dma_wait3A_803] : memref<4x!tpu.dma_semaphore, #tpu.memory_space<semaphore_mem>> -> memref<1x!tpu.dma_semaphore, #tpu.memory_space<semaphore_mem>>
    %dma_wait3A_811 = tpu.memref_squeeze %dma_wait3A_810 : memref<1x!tpu.dma_semaphore, #tpu.memory_space<semaphore_mem>> -> memref<!tpu.dma_semaphore, #tpu.memory_space<semaphore_mem>>
    %dma_wait3A_812 = arith.constant 0 : i32
    %dma_wait3A_813 = tpu.memref_slice %arg9[%add3A_41, %dma_wait3A_812] : memref<16384x128xf32, #tpu.memory_space<hbm>> -> memref<128x128xf32, #tpu.memory_space<hbm>>
    %dma_wait3A_814 = arith.constant 0 : i32
    %dma_wait3A_815 = arith.constant 0 : i32
    %dma_wait3A_816 = tpu.memref_slice %arg11[%dma_wait3A_802, %dma_wait3A_814, %dma_wait3A_815] : memref<4x128x128xf32, #tpu.memory_space<vmem>> -> memref<1x128x128xf32, #tpu.memory_space<vmem>>
    %dma_wait3A_817 = tpu.memref_squeeze %dma_wait3A_816 : memref<1x128x128xf32, #tpu.memory_space<vmem>> -> memref<128x128xf32, #tpu.memory_space<vmem>>
    tpu.wait_dma2 semaphore(%dma_wait3A_811 : memref<!tpu.dma_semaphore, #tpu.memory_space<semaphore_mem>>) src(%dma_wait3A_817 : memref<128x128xf32, #tpu.memory_space<vmem>>) dst(%dma_wait3A_813 : memref<128x128xf32, #tpu.memory_space<hbm>>)
    %dma_wait3A_818 = arith.constant 2 : i32
    %dma_wait3A_819 = arith.constant 2 : i32
    %dma_wait3A_820 = arith.constant 0 : i32
    %dma_wait3A_821 = arith.constant 0 : i32
    %dma_wait3A_822 = tpu.memref_slice %arg11[%dma_wait3A_818, %dma_wait3A_820, %dma_wait3A_821] : memref<4x128x128xf32, #tpu.memory_space<vmem>> -> memref<1x128x128xf32, #tpu.memory_space<vmem>>
    %dma_wait3A_823 = tpu.memref_squeeze %dma_wait3A_822 : memref<1x128x128xf32, #tpu.memory_space<vmem>> -> memref<128x128xf32, #tpu.memory_space<vmem>>
    %dma_wait3A_824 = arith.constant 0 : i32
    %dma_wait3A_825 = tpu.memref_slice %arg8[%add3A_45, %dma_wait3A_824] : memref<16384x128xf32, #tpu.memory_space<hbm>> -> memref<128x128xf32, #tpu.memory_space<hbm>>
    %dma_wait3A_826 = tpu.memref_slice %arg15[%dma_wait3A_819] : memref<4x!tpu.dma_semaphore, #tpu.memory_space<semaphore_mem>> -> memref<1x!tpu.dma_semaphore, #tpu.memory_space<semaphore_mem>>
    %dma_wait3A_827 = tpu.memref_squeeze %dma_wait3A_826 : memref<1x!tpu.dma_semaphore, #tpu.memory_space<semaphore_mem>> -> memref<!tpu.dma_semaphore, #tpu.memory_space<semaphore_mem>>
    %dma_wait3A_828 = arith.constant 0 : i32
    %dma_wait3A_829 = tpu.memref_slice %arg8[%add3A_45, %dma_wait3A_828] : memref<16384x128xf32, #tpu.memory_space<hbm>> -> memref<128x128xf32, #tpu.memory_space<hbm>>
    %dma_wait3A_830 = arith.constant 0 : i32
    %dma_wait3A_831 = arith.constant 0 : i32
    %dma_wait3A_832 = tpu.memref_slice %arg11[%dma_wait3A_818, %dma_wait3A_830, %dma_wait3A_831] : memref<4x128x128xf32, #tpu.memory_space<vmem>> -> memref<1x128x128xf32, #tpu.memory_space<vmem>>
    %dma_wait3A_833 = tpu.memref_squeeze %dma_wait3A_832 : memref<1x128x128xf32, #tpu.memory_space<vmem>> -> memref<128x128xf32, #tpu.memory_space<vmem>>
    tpu.wait_dma2 semaphore(%dma_wait3A_827 : memref<!tpu.dma_semaphore, #tpu.memory_space<semaphore_mem>>) src(%dma_wait3A_833 : memref<128x128xf32, #tpu.memory_space<vmem>>) dst(%dma_wait3A_829 : memref<128x128xf32, #tpu.memory_space<hbm>>)
    %dma_wait3A_834 = arith.constant 3 : i32
    %dma_wait3A_835 = arith.constant 3 : i32
    %dma_wait3A_836 = arith.constant 0 : i32
    %dma_wait3A_837 = arith.constant 0 : i32
    %dma_wait3A_838 = tpu.memref_slice %arg11[%dma_wait3A_834, %dma_wait3A_836, %dma_wait3A_837] : memref<4x128x128xf32, #tpu.memory_space<vmem>> -> memref<1x128x128xf32, #tpu.memory_space<vmem>>
    %dma_wait3A_839 = tpu.memref_squeeze %dma_wait3A_838 : memref<1x128x128xf32, #tpu.memory_space<vmem>> -> memref<128x128xf32, #tpu.memory_space<vmem>>
    %dma_wait3A_840 = arith.constant 0 : i32
    %dma_wait3A_841 = tpu.memref_slice %arg9[%add3A_51, %dma_wait3A_840] : memref<16384x128xf32, #tpu.memory_space<hbm>> -> memref<128x128xf32, #tpu.memory_space<hbm>>
    %dma_wait3A_842 = tpu.memref_slice %arg15[%dma_wait3A_835] : memref<4x!tpu.dma_semaphore, #tpu.memory_space<semaphore_mem>> -> memref<1x!tpu.dma_semaphore, #tpu.memory_space<semaphore_mem>>
    %dma_wait3A_843 = tpu.memref_squeeze %dma_wait3A_842 : memref<1x!tpu.dma_semaphore, #tpu.memory_space<semaphore_mem>> -> memref<!tpu.dma_semaphore, #tpu.memory_space<semaphore_mem>>
    %dma_wait3A_844 = arith.constant 0 : i32
    %dma_wait3A_845 = tpu.memref_slice %arg9[%add3A_51, %dma_wait3A_844] : memref<16384x128xf32, #tpu.memory_space<hbm>> -> memref<128x128xf32, #tpu.memory_space<hbm>>
    %dma_wait3A_846 = arith.constant 0 : i32
    %dma_wait3A_847 = arith.constant 0 : i32
    %dma_wait3A_848 = tpu.memref_slice %arg11[%dma_wait3A_834, %dma_wait3A_846, %dma_wait3A_847] : memref<4x128x128xf32, #tpu.memory_space<vmem>> -> memref<1x128x128xf32, #tpu.memory_space<vmem>>
    %dma_wait3A_849 = tpu.memref_squeeze %dma_wait3A_848 : memref<1x128x128xf32, #tpu.memory_space<vmem>> -> memref<128x128xf32, #tpu.memory_space<vmem>>
    tpu.wait_dma2 semaphore(%dma_wait3A_843 : memref<!tpu.dma_semaphore, #tpu.memory_space<semaphore_mem>>) src(%dma_wait3A_849 : memref<128x128xf32, #tpu.memory_space<vmem>>) dst(%dma_wait3A_845 : memref<128x128xf32, #tpu.memory_space<hbm>>)
    %dma_wait3A_850 = arith.constant 0 : i32
    %dma_wait3A_851 = arith.constant 0 : i32
    %dma_wait3A_852 = arith.constant 0 : i32
    %dma_wait3A_853 = arith.constant 0 : i32
    %dma_wait3A_854 = tpu.memref_slice %arg11[%dma_wait3A_850, %dma_wait3A_852, %dma_wait3A_853] : memref<4x128x128xf32, #tpu.memory_space<vmem>> -> memref<1x128x128xf32, #tpu.memory_space<vmem>>
    %dma_wait3A_855 = tpu.memref_squeeze %dma_wait3A_854 : memref<1x128x128xf32, #tpu.memory_space<vmem>> -> memref<128x128xf32, #tpu.memory_space<vmem>>
    %dma_wait3A_856 = arith.constant 0 : i32
    %dma_wait3A_857 = tpu.memref_slice %arg10[%mul3A_11, %dma_wait3A_856] : memref<4096x128xf32, #tpu.memory_space<hbm>> -> memref<128x128xf32, #tpu.memory_space<hbm>>
    %dma_wait3A_858 = tpu.memref_slice %arg15[%dma_wait3A_851] : memref<4x!tpu.dma_semaphore, #tpu.memory_space<semaphore_mem>> -> memref<1x!tpu.dma_semaphore, #tpu.memory_space<semaphore_mem>>
    %dma_wait3A_859 = tpu.memref_squeeze %dma_wait3A_858 : memref<1x!tpu.dma_semaphore, #tpu.memory_space<semaphore_mem>> -> memref<!tpu.dma_semaphore, #tpu.memory_space<semaphore_mem>>
    %dma_wait3A_860 = arith.constant 0 : i32
    %dma_wait3A_861 = tpu.memref_slice %arg10[%mul3A_11, %dma_wait3A_860] : memref<4096x128xf32, #tpu.memory_space<hbm>> -> memref<128x128xf32, #tpu.memory_space<hbm>>
    %dma_wait3A_862 = arith.constant 0 : i32
    %dma_wait3A_863 = arith.constant 0 : i32
    %dma_wait3A_864 = tpu.memref_slice %arg11[%dma_wait3A_850, %dma_wait3A_862, %dma_wait3A_863] : memref<4x128x128xf32, #tpu.memory_space<vmem>> -> memref<1x128x128xf32, #tpu.memory_space<vmem>>
    %dma_wait3A_865 = tpu.memref_squeeze %dma_wait3A_864 : memref<1x128x128xf32, #tpu.memory_space<vmem>> -> memref<128x128xf32, #tpu.memory_space<vmem>>
    tpu.wait_dma2 semaphore(%dma_wait3A_859 : memref<!tpu.dma_semaphore, #tpu.memory_space<semaphore_mem>>) src(%dma_wait3A_865 : memref<128x128xf32, #tpu.memory_space<vmem>>) dst(%dma_wait3A_861 : memref<128x128xf32, #tpu.memory_space<hbm>>)
    %dma_wait3A_866 = arith.constant 0 : i32
    %dma_wait3A_867 = arith.constant 0 : i32
    %dma_wait3A_868 = arith.constant 0 : i32
    %dma_wait3A_869 = arith.constant 0 : i32
    %dma_wait3A_870 = arith.constant 0 : i32
    %dma_wait3A_871 = tpu.memref_slice %arg11[%dma_wait3A_866, %dma_wait3A_869, %dma_wait3A_870] : memref<4x128x128xf32, #tpu.memory_space<vmem>> -> memref<1x128x128xf32, #tpu.memory_space<vmem>>
    %dma_wait3A_872 = tpu.memref_squeeze %dma_wait3A_871 : memref<1x128x128xf32, #tpu.memory_space<vmem>> -> memref<128x128xf32, #tpu.memory_space<vmem>>
    %dma_wait3A_873 = arith.constant 0 : i32
    %dma_wait3A_874 = tpu.memref_slice %arg12[%dma_wait3A_867, %dma_wait3A_873] : memref<2x128xi32, #tpu.memory_space<vmem>> -> memref<1x128xi32, #tpu.memory_space<vmem>>
    %dma_wait3A_875 = tpu.memref_squeeze %dma_wait3A_874 : memref<1x128xi32, #tpu.memory_space<vmem>> -> memref<128xi32, #tpu.memory_space<vmem>>
    %dma_wait3A_876 = arith.constant 0 : i32
    %dma_wait3A_877 = arith.constant 0 : i32
    %dma_wait3A_878 = tpu.memref_slice %arg18[%dma_wait3A_876, %dma_wait3A_877] : memref<16x128xf32, #tpu.memory_space<vmem_shared>> -> memref<16x128xf32, #tpu.memory_space<vmem_shared>>
    %dma_wait3A_879 = tpu.memref_slice %arg17[%dma_wait3A_868] : memref<2x!tpu.dma_semaphore, #tpu.memory_space<semaphore_mem>> -> memref<1x!tpu.dma_semaphore, #tpu.memory_space<semaphore_mem>>
    %dma_wait3A_880 = tpu.memref_squeeze %dma_wait3A_879 : memref<1x!tpu.dma_semaphore, #tpu.memory_space<semaphore_mem>> -> memref<!tpu.dma_semaphore, #tpu.memory_space<semaphore_mem>>
    tpu.wait_indirect_dma semaphore(%dma_wait3A_880 : memref<!tpu.dma_semaphore, #tpu.memory_space<semaphore_mem>>) src(%dma_wait3A_872 : memref<128x128xf32, #tpu.memory_space<vmem>>) dst(%dma_wait3A_878 : memref<16x128xf32, #tpu.memory_space<vmem_shared>>)
    %dma_wait3A_881 = arith.constant 2 : i32
    %dma_wait3A_882 = arith.constant 1 : i32
    %dma_wait3A_883 = arith.constant 1 : i32
    %dma_wait3A_884 = arith.constant 0 : i32
    %dma_wait3A_885 = arith.constant 0 : i32
    %dma_wait3A_886 = tpu.memref_slice %arg11[%dma_wait3A_881, %dma_wait3A_884, %dma_wait3A_885] : memref<4x128x128xf32, #tpu.memory_space<vmem>> -> memref<1x128x128xf32, #tpu.memory_space<vmem>>
    %dma_wait3A_887 = tpu.memref_squeeze %dma_wait3A_886 : memref<1x128x128xf32, #tpu.memory_space<vmem>> -> memref<128x128xf32, #tpu.memory_space<vmem>>
    %dma_wait3A_888 = arith.constant 0 : i32
    %dma_wait3A_889 = tpu.memref_slice %arg12[%dma_wait3A_882, %dma_wait3A_888] : memref<2x128xi32, #tpu.memory_space<vmem>> -> memref<1x128xi32, #tpu.memory_space<vmem>>
    %dma_wait3A_890 = tpu.memref_squeeze %dma_wait3A_889 : memref<1x128xi32, #tpu.memory_space<vmem>> -> memref<128xi32, #tpu.memory_space<vmem>>
    %dma_wait3A_891 = arith.constant 0 : i32
    %dma_wait3A_892 = arith.constant 0 : i32
    %dma_wait3A_893 = tpu.memref_slice %arg18[%dma_wait3A_891, %dma_wait3A_892] : memref<16x128xf32, #tpu.memory_space<vmem_shared>> -> memref<16x128xf32, #tpu.memory_space<vmem_shared>>
    %dma_wait3A_894 = tpu.memref_slice %arg17[%dma_wait3A_883] : memref<2x!tpu.dma_semaphore, #tpu.memory_space<semaphore_mem>> -> memref<1x!tpu.dma_semaphore, #tpu.memory_space<semaphore_mem>>
    %dma_wait3A_895 = tpu.memref_squeeze %dma_wait3A_894 : memref<1x!tpu.dma_semaphore, #tpu.memory_space<semaphore_mem>> -> memref<!tpu.dma_semaphore, #tpu.memory_space<semaphore_mem>>
    tpu.wait_indirect_dma semaphore(%dma_wait3A_895 : memref<!tpu.dma_semaphore, #tpu.memory_space<semaphore_mem>>) src(%dma_wait3A_887 : memref<128x128xf32, #tpu.memory_space<vmem>>) dst(%dma_wait3A_893 : memref<16x128xf32, #tpu.memory_space<vmem_shared>>)
    %barrier3A_896 = arith.constant 0 : index
    tpu.barrier barrier_id(%barrier3A_896)
    %eq3A_897 = arith.constant 0 : i32
    %eq3A_898 = arith.cmpi eq, %arg1, %eq3A_897 : i32
    %convert_element_type3A_899 = arith.extui %eq3A_898 : i1 to i32
    %cond3A_900 = arith.constant 0 : i32
    %cond3A_901 = arith.cmpi ne, %convert_element_type3A_899, %cond3A_900 : i32
    scf.if %cond3A_901 {
      "tpu.region"() ({
        %run_scoped3A = tpu.sem_alloc : memref<!tpu.dma_semaphore, #tpu.memory_space<semaphore_mem>>
        tpu.enqueue_dma source(%arg18 : memref<16x128xf32, #tpu.memory_space<vmem_shared>>) target(%arg13 : memref<16x128xf32, #tpu.memory_space<vmem>>) target_semaphore(%run_scoped3A : memref<!tpu.dma_semaphore, #tpu.memory_space<semaphore_mem>>)
        tpu.wait_dma2 semaphore(%run_scoped3A : memref<!tpu.dma_semaphore, #tpu.memory_space<semaphore_mem>>) src(%arg18 : memref<16x128xf32, #tpu.memory_space<vmem_shared>>) dst(%arg13 : memref<16x128xf32, #tpu.memory_space<vmem>>)
        tpu.yield
      }) : () -> ()
      "tpu.region"() ({
        %run_scoped3A = tpu.sem_alloc : memref<!tpu.dma_semaphore, #tpu.memory_space<semaphore_mem>>
        %dma_start3A_902 = arith.constant 0 : i32
        %dma_start3A_903 = arith.constant 0 : i32
        %dma_start3A_904 = tpu.memref_slice %arg7[%arg0, %dma_start3A_902, %dma_start3A_903] : memref<2x16x128xf32, #tpu.memory_space<hbm>> -> memref<1x16x128xf32, #tpu.memory_space<hbm>>
        %dma_start3A_905 = tpu.memref_squeeze %dma_start3A_904 : memref<1x16x128xf32, #tpu.memory_space<hbm>> -> memref<16x128xf32, #tpu.memory_space<hbm>>
        %dma_start3A_906 = arith.constant 0 : i32
        %dma_start3A_907 = arith.constant 0 : i32
        %dma_start3A_908 = tpu.memref_slice %arg7[%arg0, %dma_start3A_906, %dma_start3A_907] : memref<2x16x128xf32, #tpu.memory_space<hbm>> -> memref<1x16x128xf32, #tpu.memory_space<hbm>>
        %dma_start3A_909 = tpu.memref_squeeze %dma_start3A_908 : memref<1x16x128xf32, #tpu.memory_space<hbm>> -> memref<16x128xf32, #tpu.memory_space<hbm>>
        tpu.enqueue_dma source(%arg13 : memref<16x128xf32, #tpu.memory_space<vmem>>) target(%dma_start3A_909 : memref<16x128xf32, #tpu.memory_space<hbm>>) target_semaphore(%run_scoped3A : memref<!tpu.dma_semaphore, #tpu.memory_space<semaphore_mem>>)
        %dma_wait3A_910 = arith.constant 0 : i32
        %dma_wait3A_911 = arith.constant 0 : i32
        %dma_wait3A_912 = tpu.memref_slice %arg7[%arg0, %dma_wait3A_910, %dma_wait3A_911] : memref<2x16x128xf32, #tpu.memory_space<hbm>> -> memref<1x16x128xf32, #tpu.memory_space<hbm>>
        %dma_wait3A_913 = tpu.memref_squeeze %dma_wait3A_912 : memref<1x16x128xf32, #tpu.memory_space<hbm>> -> memref<16x128xf32, #tpu.memory_space<hbm>>
        %dma_wait3A_914 = arith.constant 0 : i32
        %dma_wait3A_915 = arith.constant 0 : i32
        %dma_wait3A_916 = tpu.memref_slice %arg7[%arg0, %dma_wait3A_914, %dma_wait3A_915] : memref<2x16x128xf32, #tpu.memory_space<hbm>> -> memref<1x16x128xf32, #tpu.memory_space<hbm>>
        %dma_wait3A_917 = tpu.memref_squeeze %dma_wait3A_916 : memref<1x16x128xf32, #tpu.memory_space<hbm>> -> memref<16x128xf32, #tpu.memory_space<hbm>>
        tpu.wait_dma2 semaphore(%run_scoped3A : memref<!tpu.dma_semaphore, #tpu.memory_space<semaphore_mem>>) src(%arg13 : memref<16x128xf32, #tpu.memory_space<vmem>>) dst(%dma_wait3A_917 : memref<16x128xf32, #tpu.memory_space<hbm>>)
        tpu.yield
      }) : () -> ()
    } else {
    }
    return
  }
}

module attributes {stable_mosaic.version = 14 : i64} {
  func.func @_prep_body(%arg0: memref<10x16384xf32, #tpu.memory_space<vmem>>, %arg1: memref<10x4096xf32, #tpu.memory_space<vmem>>, %arg2: memref<10x4096xf32, #tpu.memory_space<vmem>>, %arg3: memref<10x16384xf32, #tpu.memory_space<vmem>>, %arg4: memref<1x16384xi32, #tpu.memory_space<vmem>>, %arg5: memref<10x1xf32, #tpu.memory_space<vmem>>, %arg6: memref<10x4096xf32, #tpu.memory_space<vmem>>, %arg7: memref<10x4096xf32, #tpu.memory_space<vmem>>, %arg8: memref<10x16384xf32, #tpu.memory_space<vmem>>) attributes {dimension_semantics = [], scalar_prefetch = 0 : i64, scratch_operands = 0 : i64, tpu.core_type = #tpu.core_type<tc>} {
    %get3A = arith.constant 0 : index
    %get3A_0 = arith.constant 0 : index
    %get3A_1 = vector.load %arg0[%get3A, %get3A_0] : memref<10x16384xf32, #tpu.memory_space<vmem>>, vector<10x16384xf32>
    %reduce_max3A = arith.constant dense<0xFF800000> : vector<16384xf32>
    %reduce_max3A_2 = vector.multi_reduction <maximumf>, %get3A_1, %reduce_max3A [0] : vector<10x16384xf32> to vector<16384xf32>
    %broadcast_in_dim3A = vector.shape_cast %reduce_max3A_2 : vector<16384xf32> to vector<1x16384xf32>
    %sub3A = vector.broadcast %broadcast_in_dim3A : vector<1x16384xf32> to vector<10x16384xf32>
    %sub3A_3 = arith.subf %get3A_1, %sub3A : vector<10x16384xf32>
    %exp3A = math.exp %sub3A_3 : vector<10x16384xf32>
    %reduce_sum3A = arith.constant dense<0.000000e+00> : vector<16384xf32>
    %reduce_sum3A_4 = vector.multi_reduction <add>, %exp3A, %reduce_sum3A [0] : vector<10x16384xf32> to vector<16384xf32>
    %broadcast_in_dim3A_5 = vector.shape_cast %reduce_sum3A_4 : vector<16384xf32> to vector<1x16384xf32>
    %div3A = arith.constant 1.000000e+00 : f32
    %div3A_6 = vector.broadcast %div3A : f32 to vector<1x16384xf32>
    %div3A_7 = arith.divf %div3A_6, %broadcast_in_dim3A_5 : vector<1x16384xf32>
    %gt3A = arith.constant 5.000000e-01 : f32
    %gt3A_8 = vector.broadcast %gt3A : f32 to vector<1x16384xf32>
    %gt3A_9 = arith.cmpf ogt, %div3A_7, %gt3A_8 : vector<1x16384xf32>
    %iota3A = tpu.iota {dimensions = array<i32: 0>} : vector<10x16384xi32>
    %eq3A = vector.broadcast %broadcast_in_dim3A : vector<1x16384xf32> to vector<10x16384xf32>
    %eq3A_10 = arith.cmpf oeq, %get3A_1, %eq3A : vector<10x16384xf32>
    %jit3A = arith.constant 10 : i32
    %broadcast_in_dim3A_11 = vector.broadcast %jit3A : i32 to vector<10x16384xi32>
    %select_n3A = arith.select %eq3A_10, %iota3A, %broadcast_in_dim3A_11 : vector<10x16384xi1>, vector<10x16384xi32>
    %reduce_min3A = arith.constant dense<2147483647> : vector<16384xi32>
    %reduce_min3A_12 = vector.multi_reduction <minsi>, %select_n3A, %reduce_min3A [0] : vector<10x16384xi32> to vector<16384xi32>
    %broadcast_in_dim3A_13 = vector.shape_cast %reduce_min3A_12 : vector<16384xi32> to vector<1x16384xi32>
    %jit3A_14 = arith.constant 10 : i32
    %broadcast_in_dim3A_15 = vector.broadcast %jit3A_14 : i32 to vector<1x16384xi32>
    %select_n3A_16 = arith.select %gt3A_9, %broadcast_in_dim3A_13, %broadcast_in_dim3A_15 : vector<1x16384xi1>, vector<1x16384xi32>
    %swap3A = arith.constant 0 : index
    %swap3A_17 = arith.constant 0 : index
    %swap3A_18 = vector.load %arg4[%swap3A, %swap3A_17] : memref<1x16384xi32, #tpu.memory_space<vmem>>, vector<1x16384xi32>
    tpu.vector_store %arg4[%swap3A, %swap3A_17], %select_n3A_16 {strides = array<i32>} : memref<1x16384xi32, #tpu.memory_space<vmem>>, vector<1x16384xi32>,
    %eq3A_19 = vector.broadcast %broadcast_in_dim3A_13 : vector<1x16384xi32> to vector<10x16384xi32>
    %eq3A_20 = arith.cmpi eq, %iota3A, %eq3A_19 : vector<10x16384xi32>
    %and3A = vector.broadcast %gt3A_9 : vector<1x16384xi1> to vector<10x16384xi1>
    %and3A_21 = arith.andi %eq3A_20, %and3A : vector<10x16384xi1>
    %jit3A_22 = arith.constant 1.000000e+00 : f32
    %jit3A_23 = arith.constant 0.000000e+00 : f32
    %broadcast_in_dim3A_24 = vector.broadcast %jit3A_22 : f32 to vector<10x16384xf32>
    %broadcast_in_dim3A_25 = vector.broadcast %jit3A_23 : f32 to vector<10x16384xf32>
    %select_n3A_26 = arith.select %and3A_21, %broadcast_in_dim3A_24, %broadcast_in_dim3A_25 : vector<10x16384xi1>, vector<10x16384xf32>
    %get3A_27 = arith.constant 0 : index
    %get3A_28 = arith.constant 0 : index
    %get3A_29 = vector.load %arg1[%get3A_27, %get3A_28] : memref<10x4096xf32, #tpu.memory_space<vmem>>, vector<10x4096xf32>
    %reduce_sum3A_30 = arith.constant dense<0.000000e+00> : vector<10xf32>
    %reduce_sum3A_31 = vector.multi_reduction <add>, %select_n3A_26, %reduce_sum3A_30 [1] : vector<10x16384xf32> to vector<10xf32>
    %broadcast_in_dim3A_32 = vector.shape_cast %reduce_sum3A_31 : vector<10xf32> to vector<10x1xf32>
    %reduce_sum3A_33 = arith.constant dense<0.000000e+00> : vector<10xf32>
    %reduce_sum3A_34 = vector.multi_reduction <add>, %get3A_29, %reduce_sum3A_33 [1] : vector<10x4096xf32> to vector<10xf32>
    %broadcast_in_dim3A_35 = vector.shape_cast %reduce_sum3A_34 : vector<10xf32> to vector<10x1xf32>
    %add3A = arith.addf %broadcast_in_dim3A_32, %broadcast_in_dim3A_35 : vector<10x1xf32>
    %swap3A_36 = arith.constant 0 : index
    %swap3A_37 = arith.constant 0 : index
    %swap3A_38 = vector.load %arg5[%swap3A_36, %swap3A_37] : memref<10x1xf32, #tpu.memory_space<vmem>>, vector<10x1xf32>
    tpu.vector_store %arg5[%swap3A_36, %swap3A_37], %add3A {strides = array<i32>} : memref<10x1xf32, #tpu.memory_space<vmem>>, vector<10x1xf32>,
    %swap3A_39 = arith.constant 0 : index
    %swap3A_40 = arith.constant 0 : index
    %swap3A_41 = vector.load %arg6[%swap3A_39, %swap3A_40] : memref<10x4096xf32, #tpu.memory_space<vmem>>, vector<10x4096xf32>
    tpu.vector_store %arg6[%swap3A_39, %swap3A_40], %get3A_29 {strides = array<i32>} : memref<10x4096xf32, #tpu.memory_space<vmem>>, vector<10x4096xf32>,
    %get3A_42 = arith.constant 0 : index
    %get3A_43 = arith.constant 0 : index
    %get3A_44 = vector.load %arg2[%get3A_42, %get3A_43] : memref<10x4096xf32, #tpu.memory_space<vmem>>, vector<10x4096xf32>
    %swap3A_45 = arith.constant 0 : index
    %swap3A_46 = arith.constant 0 : index
    %swap3A_47 = vector.load %arg7[%swap3A_45, %swap3A_46] : memref<10x4096xf32, #tpu.memory_space<vmem>>, vector<10x4096xf32>
    tpu.vector_store %arg7[%swap3A_45, %swap3A_46], %get3A_44 {strides = array<i32>} : memref<10x4096xf32, #tpu.memory_space<vmem>>, vector<10x4096xf32>,
    %get3A_48 = arith.constant 0 : index
    %get3A_49 = arith.constant 0 : index
    %get3A_50 = vector.load %arg3[%get3A_48, %get3A_49] : memref<10x16384xf32, #tpu.memory_space<vmem>>, vector<10x16384xf32>
    %swap3A_51 = arith.constant 0 : index
    %swap3A_52 = arith.constant 0 : index
    %swap3A_53 = vector.load %arg8[%swap3A_51, %swap3A_52] : memref<10x16384xf32, #tpu.memory_space<vmem>>, vector<10x16384xf32>
    tpu.vector_store %arg8[%swap3A_51, %swap3A_52], %get3A_50 {strides = array<i32>} : memref<10x16384xf32, #tpu.memory_space<vmem>>, vector<10x16384xf32>,
    return
  }
}

module attributes {stable_mosaic.version = 14 : i64} {
  func.func @_atten_body(%arg0: i32, %arg1: memref<4096x128xf32, #tpu.memory_space<vmem>>, %arg2: memref<2x16x128xf32, #tpu.memory_space<vmem>>, %arg3: memref<10x1xf32, #tpu.memory_space<vmem>>, %arg4: memref<10x4096xf32, #tpu.memory_space<vmem>>, %arg5: memref<10x128xf32, #tpu.memory_space<vmem>>) attributes {dimension_semantics = [#tpu.dimension_semantics<arbitrary>], iteration_bounds = array<i64: 4>, scalar_prefetch = 0 : i64, scratch_operands = 1 : i64, tpu.core_type = #tpu.core_type<tc>, window_params = [{transform_indices = @transform_0, window_bounds = array<i64: 4096, 128>}, {pipeline_mode = #tpu.pipeline_mode<synchronous>, transform_indices = @transform_1, window_bounds = array<i64: 2, 16, 128>}, {pipeline_mode = #tpu.pipeline_mode<synchronous>, transform_indices = @transform_2, window_bounds = array<i64: 10, 1>}, {transform_indices = @transform_3, window_bounds = array<i64: 10, 4096>}]} {
    %eq3A = arith.constant 0 : i32
    %eq3A_0 = arith.cmpi eq, %arg0, %eq3A : i32
    %convert_element_type3A = arith.extui %eq3A_0 : i1 to i32
    %cond3A = arith.constant 0 : i32
    %cond3A_1 = arith.cmpi ne, %convert_element_type3A, %cond3A : i32
    scf.if %cond3A_1 {
      %get3A_29 = arith.constant 0 : index
      %get3A_30 = arith.constant 0 : index
      %get3A_31 = arith.constant 0 : index
      %get3A_32 = vector.load %arg2[%get3A_29, %get3A_30, %get3A_31] : memref<2x16x128xf32, #tpu.memory_space<vmem>>, vector<1x10x128xf32>
      %get3A_33 = vector.shape_cast %get3A_32 : vector<1x10x128xf32> to vector<10x128xf32>
      %get3A_34 = arith.constant 1 : index
      %get3A_35 = arith.constant 0 : index
      %get3A_36 = arith.constant 0 : index
      %get3A_37 = vector.load %arg2[%get3A_34, %get3A_35, %get3A_36] : memref<2x16x128xf32, #tpu.memory_space<vmem>>, vector<1x10x128xf32>
      %get3A_38 = vector.shape_cast %get3A_37 : vector<1x10x128xf32> to vector<10x128xf32>
      %add3A = arith.addf %get3A_33, %get3A_38 : vector<10x128xf32>
      %get3A_39 = arith.constant 0 : index
      %get3A_40 = arith.constant 0 : index
      %get3A_41 = vector.load %arg3[%get3A_39, %get3A_40] : memref<10x1xf32, #tpu.memory_space<vmem>>, vector<10x1xf32>
      %div3A_42 = vector.broadcast %get3A_41 : vector<10x1xf32> to vector<10x128xf32>
      %div3A_43 = arith.divf %add3A, %div3A_42 : vector<10x128xf32>
      %mul3A_44 = arith.mulf %div3A_43, %div3A_43 : vector<10x128xf32>
      %reduce_sum3A_45 = arith.constant dense<0.000000e+00> : vector<10xf32>
      %reduce_sum3A_46 = vector.multi_reduction <add>, %mul3A_44, %reduce_sum3A_45 [1] : vector<10x128xf32> to vector<10xf32>
      %broadcast_in_dim3A_47 = vector.shape_cast %reduce_sum3A_46 : vector<10xf32> to vector<10x1xf32>
      %sqrt3A_48 = math.sqrt %broadcast_in_dim3A_47 : vector<10x1xf32>
      %max3A_49 = arith.constant 9.99999996E-13 : f32
      %max3A_50 = vector.broadcast %max3A_49 : f32 to vector<10x1xf32>
      %max3A_51 = arith.maximumf %sqrt3A_48, %max3A_50 : vector<10x1xf32>
      %div3A_52 = vector.broadcast %max3A_51 : vector<10x1xf32> to vector<10x128xf32>
      %div3A_53 = arith.divf %div3A_43, %div3A_52 : vector<10x128xf32>
      %swap3A_54 = arith.constant 0 : index
      %swap3A_55 = arith.constant 0 : index
      %swap3A_56 = vector.load %arg5[%swap3A_54, %swap3A_55] : memref<10x128xf32, #tpu.memory_space<vmem>>, vector<10x128xf32>
      tpu.vector_store %arg5[%swap3A_54, %swap3A_55], %div3A_53 {strides = array<i32>} : memref<10x128xf32, #tpu.memory_space<vmem>>, vector<10x128xf32>,
    } else {
    }
    %get3A = arith.constant 0 : index
    %get3A_2 = arith.constant 0 : index
    %get3A_3 = vector.load %arg5[%get3A, %get3A_2] : memref<10x128xf32, #tpu.memory_space<vmem>>, vector<10x128xf32>
    %get3A_4 = arith.constant 0 : index
    %get3A_5 = arith.constant 0 : index
    %get3A_6 = vector.load %arg1[%get3A_4, %get3A_5] : memref<4096x128xf32, #tpu.memory_space<vmem>>, vector<4096x128xf32>
    %broadcast_in_dim3A = arith.constant 1.000000e+00 : f32
    %broadcast_in_dim3A_7 = vector.broadcast %broadcast_in_dim3A : f32 to vector<1x128xf32>
    %mul3A = arith.mulf %get3A_6, %get3A_6 : vector<4096x128xf32>
    %dot_general3A = arith.constant dense<0.000000e+00> : vector<1x4096xf32>
    %dot_general3A_8 = tpu.matmul %broadcast_in_dim3A_7, %mul3A, %dot_general3A {dimension_numbers = #tpu.dot_dimension_numbers<[1], [1], [0], [0], [0, 0, 1, 0], [], []>, transpose_lhs_hint = false} : vector<1x128xf32>, vector<4096x128xf32>, vector<1x4096xf32> -> vector<1x4096xf32>
    %sqrt3A = math.sqrt %dot_general3A_8 : vector<1x4096xf32>
    %max3A = arith.constant 9.99999996E-13 : f32
    %max3A_9 = vector.broadcast %max3A : f32 to vector<1x4096xf32>
    %max3A_10 = arith.maximumf %sqrt3A, %max3A_9 : vector<1x4096xf32>
    %div3A = arith.constant 2.000000e+00 : f32
    %div3A_11 = vector.broadcast %div3A : f32 to vector<1x4096xf32>
    %div3A_12 = arith.divf %div3A_11, %max3A_10 : vector<1x4096xf32>
    %dot_general3A_13 = arith.constant dense<0.000000e+00> : vector<10x4096xf32>
    %dot_general3A_14 = tpu.matmul %get3A_3, %get3A_6, %dot_general3A_13 {dimension_numbers = #tpu.dot_dimension_numbers<[1], [1], [0], [0], [0, 0, 1, 0], [], []>, transpose_lhs_hint = false} : vector<10x128xf32>, vector<4096x128xf32>, vector<10x4096xf32> -> vector<10x4096xf32>
    %mul3A_15 = vector.broadcast %div3A_12 : vector<1x4096xf32> to vector<10x4096xf32>
    %mul3A_16 = arith.mulf %dot_general3A_14, %mul3A_15 : vector<10x4096xf32>
    %reduce_max3A = arith.constant dense<0xFF800000> : vector<4096xf32>
    %reduce_max3A_17 = vector.multi_reduction <maximumf>, %mul3A_16, %reduce_max3A [0] : vector<10x4096xf32> to vector<4096xf32>
    %broadcast_in_dim3A_18 = vector.shape_cast %reduce_max3A_17 : vector<4096xf32> to vector<1x4096xf32>
    %sub3A = vector.broadcast %broadcast_in_dim3A_18 : vector<1x4096xf32> to vector<10x4096xf32>
    %sub3A_19 = arith.subf %mul3A_16, %sub3A : vector<10x4096xf32>
    %exp3A = math.exp %sub3A_19 : vector<10x4096xf32>
    %reduce_sum3A = arith.constant dense<0.000000e+00> : vector<4096xf32>
    %reduce_sum3A_20 = vector.multi_reduction <add>, %exp3A, %reduce_sum3A [0] : vector<10x4096xf32> to vector<4096xf32>
    %broadcast_in_dim3A_21 = vector.shape_cast %reduce_sum3A_20 : vector<4096xf32> to vector<1x4096xf32>
    %div3A_22 = arith.constant 1.000000e+00 : f32
    %div3A_23 = vector.broadcast %div3A_22 : f32 to vector<1x4096xf32>
    %div3A_24 = arith.divf %div3A_23, %broadcast_in_dim3A_21 : vector<1x4096xf32>
    %mul3A_25 = vector.broadcast %div3A_24 : vector<1x4096xf32> to vector<10x4096xf32>
    %mul3A_26 = arith.mulf %exp3A, %mul3A_25 : vector<10x4096xf32>
    %swap3A = arith.constant 0 : index
    %swap3A_27 = arith.constant 0 : index
    %swap3A_28 = vector.load %arg4[%swap3A, %swap3A_27] : memref<10x4096xf32, #tpu.memory_space<vmem>>, vector<10x4096xf32>
    tpu.vector_store %arg4[%swap3A, %swap3A_27], %mul3A_26 {strides = array<i32>} : memref<10x4096xf32, #tpu.memory_space<vmem>>, vector<10x4096xf32>,
    return
  }
  func.func @transform_0(%arg0: i32) -> (i32, i32) {
    %c0_i32 = arith.constant 0 : i32
    %c0_i32_0 = arith.constant 0 : i32
    return %arg0, %c0_i32 : i32, i32
  }
  func.func @transform_1(%arg0: i32) -> (i32, i32, i32) {
    %c0_i32 = arith.constant 0 : i32
    %c0_i32_0 = arith.constant 0 : i32
    %c0_i32_1 = arith.constant 0 : i32
    %c0_i32_2 = arith.constant 0 : i32
    return %c0_i32, %c0_i32_0, %c0_i32_1 : i32, i32, i32
  }
  func.func @transform_2(%arg0: i32) -> (i32, i32) {
    %c0_i32 = arith.constant 0 : i32
    %c0_i32_0 = arith.constant 0 : i32
    %c0_i32_1 = arith.constant 0 : i32
    return %c0_i32, %c0_i32_0 : i32, i32
  }
  func.func @transform_3(%arg0: i32) -> (i32, i32) {
    %c0_i32 = arith.constant 0 : i32
    %c0_i32_0 = arith.constant 0 : i32
    return %c0_i32, %arg0 : i32, i32
  }
}

</mosaic_0001>

<sc_bundles>
// kernel: kernel.5.cloned.1.call-start
scs
__scs_entry_jumppad:
0x0: {  	(pc) =	sbr.rel $0x88, $3  }
0x1: {  	(tag) =	ssettag $0x0;
	lr =	simm.s32 $0x1  }
0x2: {  	[smem:$0x3F99] =	sst lr;
	_ =	strace $0xD0000000  }
0x3: {  	_ = 	snop  }
0x4: {  	_ = 	snop  }
0x5: {  	_ = 	snop  }
0x6: {  	_ = 	snop  }
0x7: {  	_ = 	snop  }
__scs_overlays_trampoline_lowered:
0x8: {  	[smem:$0x3FA8] =	sst s0  }
0x9: {  	[smem:$0x3FA9] =	sst s1  }
0xa: {  	[smem:$0x3FAA] =	sst s2  }
0xb: {  	[smem:$0x3FAB] =	sst s3  }
0xc: {  	[smem:$0x3FAC] =	sst s4  }
0xd: {  	[smem:$0x3FAD] =	sst s5  }
0xe: {  	[smem:$0x3FAE] =	sst s6  }
0xf: {  	[smem:$0x3FAF] =	sst s7  }
0x10: {  	[smem:$0x3FB0] =	sst s8  }
0x11: {  	[smem:$0x3FB1] =	sst s9;
	s0 =	simm.s32 @!p0 $0x0  }
0x12: {  	s1 =	sld [smem:$0x3F97];
	s0 =	simm.s32 @p0 $0x1  }
0x13: {  	[smem:$0x3FB2] =	sst s0;
	s0 =	simm.s32 @!p1 $0x0  }
0x14: {  	s2 =	sld [smem:$0x3F96];
	s0 =	simm.s32 @p1 $0x1  }
0x15: {  	[smem:$0x3FB3] =	sst s0;
	s0 =	simm.s32 @!p2 $0x0  }
0x16: {  	s3 =	sld [smem:$0x3FDB];
	s0 =	simm.s32 @p2 $0x1  }
0x17: {  	s4 =	simm.s32 $0x1BF5;
	[smem:$0x3FB5] =	sst s0  }
0x18: {  	s0 =	sld [smem:$0x3F98];
	_ =	swait.ge [sflag:s4], $0x0  }
0x19: {  	s7 =	sld [smem:$0x3F99]  }
0x1a: {  	s8 =	sadd.s32 $0xFFFFE003, lr  }
0x1b: {  	s9 =	sadd.s32 $0xFFFFFEF7, lr;
	s5 =	simm.s32 $0xFFFFFFFF;
	p2 =	slt.u32 s8, $0xFFFFF086  }
0x1c: {  	p1 =	slt.u32 s9, $0xF7A;
	s5 =	simm.s32 @!p2 $0x0  }
0x1d: {  	s5 =	simm.s32 @p1 $0x1;
	p0 =	seq.s32 s7, s2  }
0x1e: {  	s7 =	smul.u32 @!p0 $0xF7A, s2;
	p2 =	seq.s32 @!p0 s5, $0x0  }
0x1f: {  	s9 =	smul.u32 $0xF7A, s1;
	s8 =	simm.s32 @!p0 $0x1BF5;
	p2 =	por !p2, p0  }
0x20: {  	[sflag:s8] =	ssyncset.s32 @!p0 $0xFFFFF086;
	s6 =	sadd.s32 @!p0 s3, s7;
	s7 =	simm.s32 @!p0 $0x108  }
0x21: {  	s3 =	sadd.s32 s3, s9;
	s6 =	sadd.s32 @!p0 $0x88, s6;
	s7 =	simm.s32 @p2 $0x1082  }
0x22: {  	[simem:s7], [sflag:s8] =	dma.local @!p0 [hbm:s6], $0xF7A  }
0x23: {  	s9 =	sor.u32 $0xD0000000, s2;
	s6 =	simm.s32 $0x108;
	_ =	swait.ge @!p0 [sflag:s8], $0x0  }
0x24: {  	s3 =	sadd.s32 $0x88, s3;
	s6 =	simm.s32 @!p1 $0x1082;
	[sflag:s4] =	ssyncset.s32 $0xFFFFF086  }
0x25: {  	[simem:s6], [sflag:s4] =	dma.local [hbm:s3], $0xF7A  }
0x26: {  	[smem:$0x3F99] =	sst s1;
	(tag) =	ssettag s2;
	_ =	strace s9  }
0x27: {  	s1 =	sld [smem:$0x3FA9]  }
0x28: {  	s2 =	sld [smem:$0x3FAA]  }
0x29: {  	s4 =	sld [smem:$0x3FAC]  }
0x2a: {  	p0 =	seq.s32 s5, $0x0;
	s5 =	sld [smem:$0x3FAD]  }
0x2b: {  	s6 =	sld [smem:$0x3FAE]  }
0x2c: {  	s7 =	sld [smem:$0x3FAF]  }
0x2d: {  	s3 =	simm.s32 $0x108;
	s8 =	sld [smem:$0x3FB0]  }
0x2e: {  	s3 =	simm.s32 @!p0 $0x1082;
	s9 =	sld [smem:$0x3FB1]  }
0x2f: {  	lr =	sadd.s32 s0, s3;
	s0 =	sld [smem:$0x3FA8]  }
0x30: {  	s3 =	sld [smem:$0x3FAB]  }
0x31: {  	[smem:$0x3FB4] =	sst s10  }
0x32: {  	s10 =	sld [smem:$0x3FB2];
	_ =	sdelay $0x3  }
0x33: {  	p0 =	seq.s32 s10, $0x1;
	s10 =	sld [smem:$0x3FB4];
	_ =	sdelay $0x3  }
0x34: {  	[smem:$0x3FB4] =	sst s10  }
0x35: {  	s10 =	sld [smem:$0x3FB3];
	_ =	sdelay $0x3  }
0x36: {  	p1 =	seq.s32 s10, $0x1;
	s10 =	sld [smem:$0x3FB4];
	_ =	sdelay $0x3  }
0x37: {  	[smem:$0x3FB4] =	sst s10  }
0x38: {  	s10 =	sld [smem:$0x3FB5]  }
0x39: {  	_ = 	snop;
	(pc) =	sbr.ind lr, $3  }
0x3a: {  	_ = 	snop  }
0x3b: {  	_ = 	snop  }
0x3c: {  	p2 =	seq.s32 s10, $0x1;
	s10 =	sld [smem:$0x3FB4]  }
0x3d: {  	_ =	shalt  }
0x3e: {  	_ =	shalt  }
0x3f: {  	_ =	shalt  }
0x40: {  	_ =	shalt  }
0x41: {  	_ =	shalt  }
0x42: {  	_ =	shalt  }
0x43: {  	_ =	shalt  }
0x44: {  	_ =	shalt  }
0x45: {  	_ =	shalt  }
0x46: {  	_ =	shalt  }
0x47: {  	_ =	shalt  }
0x48: {  	_ =	shalt  }
0x49: {  	_ =	shalt  }
0x4a: {  	_ =	shalt  }
0x4b: {  	_ =	shalt  }
0x4c: {  	_ =	shalt  }
0x4d: {  	_ =	shalt  }
0x4e: {  	_ =	shalt  }
0x4f: {  	_ =	shalt  }
0x50: {  	_ =	shalt  }
0x51: {  	_ =	shalt  }
0x52: {  	_ =	shalt  }
0x53: {  	_ =	shalt  }
0x54: {  	_ =	shalt  }
0x55: {  	_ =	shalt  }
0x56: {  	_ =	shalt  }
0x57: {  	_ =	shalt  }
0x58: {  	_ =	shalt  }
0x59: {  	_ =	shalt  }
0x5a: {  	_ =	shalt  }
0x5b: {  	_ =	shalt  }
0x5c: {  	_ =	shalt  }
0x5d: {  	_ =	shalt  }
0x5e: {  	_ =	shalt  }
0x5f: {  	_ =	shalt  }
0x60: {  	_ =	shalt  }
0x61: {  	_ =	shalt  }
0x62: {  	_ =	shalt  }
0x63: {  	_ =	shalt  }
0x64: {  	_ =	shalt  }
0x65: {  	_ =	shalt  }
0x66: {  	_ =	shalt  }
0x67: {  	_ =	shalt  }
0x68: {  	_ =	shalt  }
0x69: {  	_ =	shalt  }
0x6a: {  	_ =	shalt  }
0x6b: {  	_ =	shalt  }
0x6c: {  	_ =	shalt  }
0x6d: {  	_ =	shalt  }
0x6e: {  	_ =	shalt  }
0x6f: {  	_ =	shalt  }
0x70: {  	_ =	shalt  }
0x71: {  	_ =	shalt  }
0x72: {  	_ =	shalt  }
0x73: {  	_ =	shalt  }
0x74: {  	_ =	shalt  }
0x75: {  	_ =	shalt  }
0x76: {  	_ =	shalt  }
0x77: {  	_ =	shalt  }
0x78: {  	_ =	shalt  }
0x79: {  	_ =	shalt  }
0x7a: {  	_ =	shalt  }
0x7b: {  	_ =	shalt  }
0x7c: {  	_ =	shalt  }
0x7d: {  	_ =	shalt  }
0x7e: {  	_ =	shalt  }
0x7f: {  	_ =	shalt  }
0x80: {  	_ =	shalt  }
0x81: {  	_ =	shalt  }
0x82: {  	_ =	shalt  }
0x83: {  	_ =	shalt  }
0x84: {  	_ =	shalt  }
0x85: {  	_ =	shalt  }
0x86: {  	_ =	shalt  }
0x87: {  	_ =	shalt  }
.Lfunc_end0:
.L_simem_size_0:
called_computation_lowered:
.L_overlay_start_0:
0x88: {  	s2 =	sld [smem:$0x3FD9]  }
0x89: {  	s3 =	sld [smem:$0x3FFE];
	_ =	sdelay $0x1  }
0x8a: {  	s1 =	srdreg.scid  }
0x8b: {  	s0 =	sand.u32 $0x1, s1  }
0x8c: {  	s14 =	sshll.u32 s0, $0xA;
	s2 =	sadd.s32 s3, s2  }
0x8d: {  	s2 =	sadd.s32 s2, s14  }
0x8e: {  	[smem:$0x3FC0] =	sst s2  }
0x8f: {  	_ = 	snop  }
0x90: {  	s2 =	sld [smem:$0x3FC9]  }
0x91: {  	s15 =	sld [smem:$0x3FD0]  }
0x92: {  	s4 =	sld [smem:$0x3FC8]  }
0x93: {  	s5 =	sld [smem:$0x3FC7]  }
0x94: {  	s7 =	simm.s32 $0xA;
	s8 =	simm.s32 $0x10;
	s6 =	sld [smem:$0x3FC2]  }
0x95: {  	[smem:s8], [sflag:s7] =	dma.local [hbm:s15], $0x1  }
0x96: {  	_ =	swait.eq [sflag:s7], $0x1  }
0x97: {  	s16 =	sld [smem:$0x10]  }
0x98: {  	s17 =	sld [smem:$0x11];
	[sflag:s7] =	ssyncset.done $0x0  }
0x99: {  	s9 =	sld [smem:$0x12];
	[sflag:s7] =	ssyncadd.s32 $0xFFFFFFFF  }
0x9a: {  	s18 =	sld [smem:$0x15];
	(tm) =	ssettm $0x1  }
0x9b: {  	s10 =	sld [smem:$0x3FFB];
	_ =	sdelay $0x3  }
0x9c: {  	_ =	strace s10  }
0x9d: {  	s10 =	sld [smem:$0x3FFC];
	_ =	sdelay $0x3  }
0x9e: {  	_ =	strace s10  }
0x9f: {  	s10 =	sld [smem:$0x3FFD];
	_ =	sdelay $0x3  }
0xa0: {  	_ =	strace s10  }
0xa1: {  	_ =	strace $0x8FFFFFFF  }
0xa2: {  	s19 =	sld [smem:$0x3FDB];
	_ =	sdelay $0x1  }
0xa3: {  	s11 =	simm.s32 $_scs_section_size  }
0xa4: {  	s12 =	simm.s32 $_size__tile_overlayer_lowered;
	s13 =	simm.s32 $_tile_overlayer_lowered  }
0xa5: {  	s22 =	simm.s32 $0x1BFF;
	s21 =	sshll.u32 s13, $0x1;
	s10 =	sadd.s32 s11, s19  }
0xa6: {  	s20 =	sshll.u32 s12, $0x1;
	s14 =	simm.s32 $0x0;
	s12 =	sadd.s32 s21, s10  }
0xa7: {  	[timem:s14], [sflag:s22] =	dma.local [hbm:s12], s20  }
0xa8: {  	_ =	swait.ge [sflag:s22], s20  }
0xa9: {  	s11 =	ssub.s32 $0x0, s20;
	[sflag:s22] =	ssyncset.done $0x0  }
0xaa: {  	[sflag:s22] =	ssyncadd.s32 s11;
	_ =	sdelay $0x1  }
0xab: {  	s23 =	simm.s32 $0x1B8B  }
0xac: {  	_ =	swait.ge [sflag:s23], $0x1  }
0xad: {  	[sflag:s23] =	ssyncset.done $0x0  }
0xae: {  	s25 =	simm.s32 $0x1B8E;
	s24 =	sld [smem:$0x3FFE];
	[sflag:s23] =	ssyncadd.s32 $0xFFFFFFFF  }
0xaf: {  	s26 =	simm.s32 $execute0_lowered;
	[smem:$0x3FD2] =	sst s25  }
0xb0: {  	s12 =	sshll.u32 s26, $0x1;
	_ =	strace $0x80000046;
	[dreg:$0x1] =	wrdreg $0xFFFFFFFF  }
0xb1: {  	s28 =	simm.s32 $_size_execute0_lowered;
	s10 =	sadd.s32 s10, s12;
	[dreg:$0x0] =	wrdreg $0x0  }
0xb2: {  	s12 =	sshll.u32 s28, $0x1;
	[dreg:$0x2] =	wrdreg s10  }
0xb3: {  	[dreg:$0x3] =	wrdreg s12  }
0xb4: {  	[dreg:$0x4] =	wrdreg $0xC0  }
0xb5: {  	_ =	task [dreg:s14], $0x5FFFF  }
0xb6: {  	[dreg:$0x1] =	wrdreg $0xFFFFFFFF  }
0xb7: {  	[dreg:$0x0] =	wrdreg $0x60  }
0xb8: {  	[dreg:$0x2] =	wrdreg s2  }
0xb9: {  	[dreg:$0x3] =	wrdreg s18  }
0xba: {  	[dreg:$0x4] =	wrdreg s5  }
0xbb: {  	[dreg:$0x5] =	wrdreg s6  }
0xbc: {  	[dreg:$0x6] =	wrdreg s4  }
0xbd: {  	[dreg:$0x7] =	wrdreg s24  }
0xbe: {  	[dreg:$0x8] =	wrdreg s16  }
0xbf: {  	[dreg:$0x9] =	wrdreg s17  }
0xc0: {  	[dreg:$0xa] =	wrdreg s9  }
0xc1: {  	[dreg:$0xb] =	wrdreg $0x109000  }
0xc2: {  	[dreg:$0xc] =	wrdreg $0x9  }
0xc3: {  	_ =	task.clear_ibuf [dreg:s14], $0xDFFFF;
	_ =	strace $0x90000046  }
0xc4: {  	s29 =	simm.s32 $0x9;
	_ =	strace $0x80000048  }
0xc5: {  	_ =	swait.ge [sflag:s29], $0x1  }
0xc6: {  	[sflag:s29] =	ssyncadd.s32 $0xFFFFFFFF  }
0xc7: {  	_ =	strace $0x90000048  }
0xc8: {  	_ =	sfence  }
0xc9: {  	s30 =	sld [smem:$0x0];
	_ =	sdelay $0x2  }
0xca: {  	s31 =	sshll.u32 s1, $0xD;
	s1 =	sshrl.u32 s1, $0x2  }
0xcb: {  	s3 =	sand.u32 $0x4000, s31;
	s1 =	sadd.s32 s1, s30  }
0xcc: {  	s0 =	sor.u32 s3, s0;
	s1 =	sshll.u32 s1, $0x11  }
0xcd: {  	s0 =	sor.u32 s1, s0  }
0xce: {  	s0 =	sadd.s32 $0x8F2B, s0  }
0xcf: {  	[sflag:s0] =	ssyncadd.remote.s32 $0x1  }
0xd0: {  	_ =	sfence.sel $0xFFFF  }
0xd1: {  	[dreg:$0x0] =	wrdreg $0xFFFFFFFF;
	(pc) =	sbr.abs _section_cstart, $3  }
0xd2: {  	[dreg:$0x1] =	wrdreg $0xFFFFFFFF  }
0xd3: {  	_ =	task.clear_ibuf [dreg:s14], $0x2FFFF;
	_ =	strace $0x9FFFFFFF  }
0xd4: {  	(tm) =	ssettm $0x7FFFFFFF  }
0xd5: {  	_ =	shalt  }
tec
execute0_lowered:
.L_overlay_start_1:
0x0: {  	(tag) =	ssettag $0x1  }
0x1: {  	s1 =	rddreg [dreg:$0x0]  }
0x2: {  	s2 =	rddreg [dreg:$0x1]  }
0x3: {  	s3 =	rddreg [dreg:$0x2]  }
0x4: {  	s4 =	rddreg [dreg:$0x3]  }
0x5: {  	s5 =	rddreg [dreg:$0x4]  }
0x6: {  	s6 =	rddreg [dreg:$0x5]  }
0x7: {  	s7 =	rddreg [dreg:$0x6]  }
0x8: {  	s8 =	srdreg.scid;
	s9 =	rddreg [dreg:$0x7];
	s0 =	simm.s32 $0x0  }
0x9: {  	s10 =	stileid.u32;
	s29 =	simm.s32 $0x10000;
	s30 =	simm.s32 $0x4000  }
0xa: {  	s31 =	simm.s32 $0x1;
	s8 =	sand.u32 $0x1, s8;
	[smem:$0x7FF] =	sst s0  }
0xb: {  	p0 =	sne.s32 s10, $0x0;
	s11 =	sshll.u32 s8, $0x4;
	s12 =	sshll.u32 s8, $0x8  }
0xc: {  	s8 =	ssub.s32 $0x2, s8;
	s11 =	sor.u32 s10, s11;
	s6 =	sadd.s32 s12, s6  }
0xd: {  	s25 =	sshrl.u32 s8, $0x1;
	s10 =	simm.s32 $0x4;
	s15 =	sshll.u32 s11, $0xD  }
0xe: {  	s13 =	sshll.u32 s11, $0x9;
	s16 =	sshll.u32 s11, $0x6;
	s17 =	sadd.s32 s1, s15  }
0xf: {  	s8 =	ssub.s32 s8, s25;
	s16 =	sadd.s32 s2, s16;
	[dreg:$0xb] =	wrdreg s17  }
0x10: {  	s26 =	sor.u32 $0x80, s13;
	s18 =	sadd.s32 s5, s15;
	[dreg:$0xc] =	wrdreg s16  }
0x11: {  	s14 =	sor.u32 $0x100, s13;
	s19 =	sadd.s32 s7, s15;
	[dreg:$0xd] =	wrdreg s18  }
0x12: {  	s22 =	sadd.s32 s9, s15;
	[dreg:$0xe] =	wrdreg s19;
	s20 =	sshll.u32 s26, $0x4  }
0x13: {  	s12 =	sshrl.u32 s26, $0x3;
	[dreg:$0x11] =	wrdreg s22;
	s21 =	sadd.s32 s1, s20  }
0x14: {  	s13 =	sor.u32 $0x180, s13;
	s12 =	sadd.s32 s2, s12;
	[dreg:$0xf] =	wrdreg s21  }
0x15: {  	s28 =	smax.u32 s8, $0x1;
	s23 =	sadd.s32 s5, s20;
	[dreg:$0x10] =	wrdreg s12  }
0x16: {  	s17 =	sshll.u32 s14, $0x4;
	s15 =	sadd.s32 s7, s20;
	[dreg:$0x12] =	wrdreg s23  }
0x17: {  	s8 =	simm.s32 $0x5;
	s18 =	sadd.s32 s1, s17;
	[dreg:$0x15] =	wrdreg s15  }
0x18: {  	s24 =	sshrl.u32 s14, $0x3;
	s19 =	sadd.s32 s9, s20;
	[dreg:$0x17] =	wrdreg s18  }
0x19: {  	s25 =	sshrl.u32 s13, $0x3;
	s22 =	sadd.s32 s5, s17;
	[dreg:$0x18] =	wrdreg s19  }
0x1a: {  	s26 =	sshll.u32 s11, $0x4;
	s14 =	simm.s32 $0x8;
	[dreg:$0x1a] =	wrdreg s22  }
0x1b: {  	s12 =	sadd.s32 s2, s24;
	s2 =	sadd.s32 s2, s25;
	s25 =	rddreg [dreg:$0x8]  }
0x1c: {  	s20 =	sshll.u32 s13, $0x4;
	s13 =	simm.s32 $0xC;
	s22 =	rddreg [dreg:$0x9]  }
0x1d: {  	s1 =	sadd.s32 s1, s20;
	s23 =	sadd.s32 s7, s17;
	[dreg:$0x13] =	wrdreg s12  }
0x1e: {  	s24 =	sadd.s32 s9, s17;
	s19 =	sadd.s32 s5, s20;
	[dreg:$0x14] =	wrdreg s2  }
0x1f: {  	s21 =	sadd.s32 s7, s20;
	s5 =	simm.s32 $0xC000;
	[dreg:$0x19] =	wrdreg s1  }
0x20: {  	s7 =	simm.s32 $0xA;
	s15 =	simm.s32 $0x0;
	[dreg:$0x1b] =	wrdreg s23  }
0x21: {  	s2 =	sadd.s32 s4, s26;
	[dreg:$0x1c] =	wrdreg s24;
	s26 =	sshll.u32 s11, $0xB  }
0x22: {  	s23 =	sadd.s32 s9, s20;
	s20 =	simm.s32 $0x9;
	s1 =	simm.s32 $0x80  }
0x23: {  	s4 =	simm.s32 $0x2;
	s9 =	simm.s32 $0xB;
	s11 =	simm.s32 $0x6  }
0x24: {  	s12 =	simm.s32 $0x7;
	[dreg:$0x16] =	wrdreg s2;
	s24 =	sadd.s32 s3, s26  }
0x25: {  	s25 =	sadd.s32 s25, s26;
	s26 =	sadd.s32 $0x1E00, s6;
	s2 =	simm.s32 $0x8000  }
0x26: {  	v0 =	vimm.f32 $0.0e+00;
	s3 =	simm.s32 $0x10080;
	s6 =	simm.s32 $0x3;
	_ =	strace $0x80000047  }
.LBB2_1:
0x27: {  	s16 =	simm.s32 $0x0;
	s17 =	simm.s32 $0x200  }
.LBB2_2:
0x28: {  	p1 =	sne.s32 s17, $0x1E00;
	[tilespmem:s16+$0x10170] =	vst v0  }
0x29: {  	[tilespmem:s16+$0x10100] =	vst v0  }
0x2a: {  	[tilespmem:s16+$0x10110] =	vst v0  }
.Ltmp0:
0x2b: {  	[tilespmem:s16+$0x10120] =	vst v0;
	(pc) =	sbr.rel @p1 .LBB2_2-.Ltmp0, $4  }
0x2c: {  	[tilespmem:s16+$0x10130] =	vst v0  }
0x2d: {  	[tilespmem:s16+$0x10140] =	vst v0  }
0x2e: {  	[tilespmem:s16+$0x10150] =	vst v0  }
0x2f: {  	[tilespmem:s16+$0x10160] =	vst v0;
	s16 =	sshra.s32 s17, $0x2;
	s17 =	sadd.s32 $0x200, s17  }
0x30: {  	[tilespmem:s16+$0x10170] =	vst v0  }
0x31: {  	[tilespmem:s16+$0x10100] =	vst v0  }
0x32: {  	[tilespmem:s16+$0x10110] =	vst v0  }
0x33: {  	[tilespmem:s16+$0x10120] =	vst v0  }
0x34: {  	[tilespmem:s16+$0x10130] =	vst v0  }
0x35: {  	[tilespmem:s16+$0x10140] =	vst v0  }
0x36: {  	[tilespmem:s16+$0x10150] =	vst v0  }
0x37: {  	[tilespmem:s16+$0x10160] =	vst v0;
	s17 =	simm.s32 @!p0 $0x10100;
	s16 =	simm.s32 @!p0 $0xD  }
0x38: {  	[spmem:s22] =	stream.linear.scatter @!p0 [tilespmem:s17], [sflag:$0xD], $0x800, $0x38;
	[tilespmem:$0x10980] =	vst v63  }
0x39: {  	_ =	swait.ge @!p0 [sflag:s16], $0x800  }
0x3a: {  	[sflag:s16] =	ssyncset.done @!p0 $0x0  }
0x3b: {  	[sflag:s16] =	ssyncadd.s32 @!p0 $0xFFFFF800  }
0x3c: {  	[bflag:$0x0] =	sbarrier.arrive $0xFFFF  }
0x3d: {  	s18 =	rddreg [dreg:$0xb]  }
0x3e: {  	[tilespmem:s0], [sflag:$0x1] =	stream.linear.gather [hbm4b:s18+s0], $0x4000, $0x38;
	[tilespmem:$0x10980] =	vst v63  }
0x3f: {  	s18 =	rddreg [dreg:$0xc]  }
0x40: {  	[tilespmem:s29], [sflag:$0x9] =	stream.linear.gather [hbm4b:s18+s0], $0x80, $0x38;
	[tilespmem:$0x10980] =	vst v63  }
0x41: {  	s18 =	rddreg [dreg:$0xd]  }
0x42: {  	[tilespmem:s30], [sflag:$0x2] =	stream.linear.gather [hbm4b:s18+s0], $0x4000, $0x38;
	[tilespmem:$0x10980] =	vst v63  }
0x43: {  	_ =	swait.ge [sflag:s31], $0x4000  }
0x44: {  	[sflag:s31] =	ssyncset.done $0x0  }
0x45: {  	[sflag:s31] =	ssyncadd.s32 $0xFFFFC000  }
0x46: {  	_ =	swait.ge [sflag:s20], $0x80  }
0x47: {  	[sflag:s20] =	ssyncset.done $0x0  }
0x48: {  	[sflag:s20] =	ssyncadd.s32 $0xFFFFFF80  }
0x49: {  	[spmem:s22] =	stream.indirect.scatter.add.f32 [tilespmem:s0], [sflag:$0xB], $0x80, s29, s1, $0xb8;
	[tilespmem:$0x10980] =	vst v63  }
0x4a: {  	s18 =	rddreg [dreg:$0xe]  }
0x4b: {  	[hbm4b:s18+s0] =	stream.linear.scatter [tilespmem:s0], [sflag:$0x5], $0x4000, $0x38;
	[tilespmem:$0x10980] =	vst v63  }
0x4c: {  	s18 =	rddreg [dreg:$0xf]  }
0x4d: {  	[tilespmem:s2], [sflag:$0x3] =	stream.linear.gather [hbm4b:s18+s0], $0x4000, $0x38;
	[tilespmem:$0x10980] =	vst v63  }
0x4e: {  	s18 =	rddreg [dreg:$0x10]  }
0x4f: {  	[tilespmem:s3], [sflag:$0xA] =	stream.linear.gather [hbm4b:s18+s0], $0x80, $0x38;
	[tilespmem:$0x10980] =	vst v63  }
0x50: {  	_ =	swait.ge [sflag:s4], $0x4000  }
0x51: {  	[sflag:s4] =	ssyncset.done $0x0  }
0x52: {  	s18 =	rddreg [dreg:$0x11];
	[sflag:s4] =	ssyncadd.s32 $0xFFFFC000  }
0x53: {  	[hbm4b:s18+s0] =	stream.linear.scatter [tilespmem:s30], [sflag:$0x6], $0x4000, $0x38;
	[tilespmem:$0x10980] =	vst v63  }
0x54: {  	s18 =	rddreg [dreg:$0x12]  }
0x55: {  	[tilespmem:s5], [sflag:$0x4] =	stream.linear.gather [hbm4b:s18+s0], $0x4000, $0x38;
	[tilespmem:$0x10980] =	vst v63  }
0x56: {  	_ =	swait.ge [sflag:s6], $0x4000  }
0x57: {  	[sflag:s6] =	ssyncset.done $0x0  }
0x58: {  	[sflag:s6] =	ssyncadd.s32 $0xFFFFC000  }
0x59: {  	_ =	swait.ge [sflag:s7], $0x80  }
0x5a: {  	[sflag:s7] =	ssyncset.done $0x0  }
0x5b: {  	[sflag:s7] =	ssyncadd.s32 $0xFFFFFF80  }
0x5c: {  	[spmem:s22] =	stream.indirect.scatter.add.f32 [tilespmem:s2], [sflag:$0xC], $0x80, s3, s1, $0xb8;
	[tilespmem:$0x10980] =	vst v63  }
0x5d: {  	s18 =	rddreg [dreg:$0x15]  }
0x5e: {  	[hbm4b:s18+s0] =	stream.linear.scatter [tilespmem:s2], [sflag:$0x7], $0x4000, $0x38;
	[tilespmem:$0x10980] =	vst v63  }
0x5f: {  	_ =	swait.ge [sflag:s8], $0x4000  }
0x60: {  	[sflag:s8] =	ssyncset.done $0x0  }
0x61: {  	[sflag:s8] =	ssyncadd.s32 $0xFFFFC000  }
0x62: {  	_ =	swait.ge [sflag:s9], $0x4000  }
0x63: {  	[sflag:s9] =	ssyncset.done $0x0  }
0x64: {  	s18 =	rddreg [dreg:$0x17];
	[sflag:s9] =	ssyncadd.s32 $0xFFFFC000  }
0x65: {  	[tilespmem:s0], [sflag:$0x1] =	stream.linear.gather [hbm4b:s18+s0], $0x4000, $0x38;
	[tilespmem:$0x10980] =	vst v63  }
0x66: {  	s18 =	rddreg [dreg:$0x13]  }
0x67: {  	[tilespmem:s29], [sflag:$0x9] =	stream.linear.gather [hbm4b:s18+s0], $0x80, $0x38;
	[tilespmem:$0x10980] =	vst v63  }
0x68: {  	_ =	swait.ge [sflag:s10], $0x4000  }
0x69: {  	[sflag:s10] =	ssyncset.done $0x0  }
0x6a: {  	s18 =	rddreg [dreg:$0x18];
	[sflag:s10] =	ssyncadd.s32 $0xFFFFC000  }
0x6b: {  	[hbm4b:s18+s0] =	stream.linear.scatter [tilespmem:s5], [sflag:$0x8], $0x4000, $0x38;
	[tilespmem:$0x10980] =	vst v63  }
0x6c: {  	_ =	swait.ge [sflag:s11], $0x4000  }
0x6d: {  	[sflag:s11] =	ssyncset.done $0x0  }
0x6e: {  	s18 =	rddreg [dreg:$0x1a];
	[sflag:s11] =	ssyncadd.s32 $0xFFFFC000  }
0x6f: {  	[tilespmem:s30], [sflag:$0x2] =	stream.linear.gather [hbm4b:s18+s0], $0x4000, $0x38;
	[tilespmem:$0x10980] =	vst v63  }
0x70: {  	_ =	swait.ge [sflag:s31], $0x4000  }
0x71: {  	[sflag:s31] =	ssyncset.done $0x0  }
0x72: {  	[sflag:s31] =	ssyncadd.s32 $0xFFFFC000  }
0x73: {  	_ =	swait.ge [sflag:s20], $0x80  }
0x74: {  	[sflag:s20] =	ssyncset.done $0x0  }
0x75: {  	[sflag:s20] =	ssyncadd.s32 $0xFFFFFF80  }
0x76: {  	[spmem:s22] =	stream.indirect.scatter.add.f32 [tilespmem:s0], [sflag:$0xB], $0x80, s29, s1, $0xb8;
	[tilespmem:$0x10980] =	vst v63  }
0x77: {  	s18 =	rddreg [dreg:$0x1b]  }
0x78: {  	[hbm4b:s18+s0] =	stream.linear.scatter [tilespmem:s0], [sflag:$0x5], $0x4000, $0x38;
	[tilespmem:$0x10980] =	vst v63  }
0x79: {  	_ =	swait.ge [sflag:s12], $0x4000  }
0x7a: {  	[sflag:s12] =	ssyncset.done $0x0  }
0x7b: {  	[sflag:s12] =	ssyncadd.s32 $0xFFFFC000  }
0x7c: {  	_ =	swait.ge [sflag:s13], $0x4000  }
0x7d: {  	[sflag:s13] =	ssyncset.done $0x0  }
0x7e: {  	s18 =	rddreg [dreg:$0x19];
	[sflag:s13] =	ssyncadd.s32 $0xFFFFC000  }
0x7f: {  	[tilespmem:s2], [sflag:$0x3] =	stream.linear.gather [hbm4b:s18+s0], $0x4000, $0x38;
	[tilespmem:$0x10980] =	vst v63  }
0x80: {  	s18 =	rddreg [dreg:$0x14]  }
0x81: {  	[tilespmem:s3], [sflag:$0xA] =	stream.linear.gather [hbm4b:s18+s0], $0x80, $0x38;
	[tilespmem:$0x10980] =	vst v63  }
0x82: {  	_ =	swait.ge [sflag:s4], $0x4000  }
0x83: {  	[sflag:s4] =	ssyncset.done $0x0  }
0x84: {  	s18 =	rddreg [dreg:$0x1c];
	[sflag:s4] =	ssyncadd.s32 $0xFFFFC000  }
0x85: {  	[hbm4b:s18+s0] =	stream.linear.scatter [tilespmem:s30], [sflag:$0x6], $0x4000, $0x38;
	[tilespmem:$0x10980] =	vst v63  }
0x86: {  	_ =	swait.ge [sflag:s14], $0x4000  }
0x87: {  	[sflag:s14] =	ssyncset.done $0x0  }
0x88: {  	[sflag:s14] =	ssyncadd.s32 $0xFFFFC000  }
0x89: {  	[tilespmem:s5], [sflag:$0x4] =	stream.linear.gather [hbm4b:s19+s0], $0x4000, $0x38;
	[tilespmem:$0x10980] =	vst v63  }
0x8a: {  	_ =	swait.ge [sflag:s6], $0x4000  }
0x8b: {  	[sflag:s6] =	ssyncset.done $0x0  }
0x8c: {  	[sflag:s6] =	ssyncadd.s32 $0xFFFFC000  }
0x8d: {  	_ =	swait.ge [sflag:s7], $0x80  }
0x8e: {  	[sflag:s7] =	ssyncset.done $0x0  }
0x8f: {  	[sflag:s7] =	ssyncadd.s32 $0xFFFFFF80  }
0x90: {  	[spmem:s22] =	stream.indirect.scatter.add.f32 [tilespmem:s2], [sflag:$0xC], $0x80, s3, s1, $0xb8;
	[tilespmem:$0x10980] =	vst v63  }
0x91: {  	_ = 	snop  }
0x92: {  	[hbm4b:s21+s0] =	stream.linear.scatter [tilespmem:s2], [sflag:$0x7], $0x4000, $0x38;
	[tilespmem:$0x10980] =	vst v63  }
0x93: {  	_ =	swait.ge [sflag:s8], $0x4000  }
0x94: {  	[sflag:s8] =	ssyncset.done $0x0  }
0x95: {  	[sflag:s8] =	ssyncadd.s32 $0xFFFFC000  }
0x96: {  	_ =	swait.ge [sflag:s9], $0x4000  }
0x97: {  	[sflag:s9] =	ssyncset.done $0x0  }
0x98: {  	[sflag:s9] =	ssyncadd.s32 $0xFFFFC000  }
0x99: {  	[tilespmem:s0], [sflag:$0x1] =	stream.linear.gather [hbm4b:s24+s0], $0x4000, $0x38;
	[tilespmem:$0x10980] =	vst v63  }
0x9a: {  	s18 =	rddreg [dreg:$0x16]  }
0x9b: {  	[tilespmem:s29], [sflag:$0x9] =	stream.linear.gather [hbm4b:s18+s0], $0x80, $0x38;
	[tilespmem:$0x10980] =	vst v63  }
0x9c: {  	_ =	swait.ge [sflag:s10], $0x4000  }
0x9d: {  	[sflag:s10] =	ssyncset.done $0x0  }
0x9e: {  	[sflag:s10] =	ssyncadd.s32 $0xFFFFC000  }
0x9f: {  	[hbm4b:s23+s0] =	stream.linear.scatter [tilespmem:s5], [sflag:$0x8], $0x4000, $0x38;
	[tilespmem:$0x10980] =	vst v63  }
0xa0: {  	_ =	swait.ge [sflag:s31], $0x4000  }
0xa1: {  	[sflag:s31] =	ssyncset.done $0x0  }
0xa2: {  	[sflag:s31] =	ssyncadd.s32 $0xFFFFC000  }
0xa3: {  	_ =	swait.ge [sflag:s20], $0x80  }
0xa4: {  	[sflag:s20] =	ssyncset.done $0x0  }
0xa5: {  	[sflag:s20] =	ssyncadd.s32 $0xFFFFFF80  }
0xa6: {  	[spmem:s22] =	stream.indirect.scatter.add.f32 [tilespmem:s0], [sflag:$0xB], $0x80, s29, s1, $0xb8;
	[tilespmem:$0x10980] =	vst v63  }
0xa7: {  	_ = 	snop  }
0xa8: {  	[hbm4b:s25+s0] =	stream.linear.scatter [tilespmem:s0], [sflag:$0x5], $0x4000, $0x38;
	[tilespmem:$0x10980] =	vst v63  }
0xa9: {  	_ =	swait.ge [sflag:s11], $0x4000  }
0xaa: {  	[sflag:s11] =	ssyncset.done $0x0  }
0xab: {  	[sflag:s11] =	ssyncadd.s32 $0xFFFFC000  }
0xac: {  	_ =	swait.ge [sflag:s12], $0x4000  }
0xad: {  	[sflag:s12] =	ssyncset.done $0x0  }
0xae: {  	[sflag:s12] =	ssyncadd.s32 $0xFFFFC000  }
0xaf: {  	_ =	swait.ge [sflag:s14], $0x4000  }
0xb0: {  	[sflag:s14] =	ssyncset.done $0x0  }
0xb1: {  	[sflag:s14] =	ssyncadd.s32 $0xFFFFC000  }
0xb2: {  	_ =	swait.ge [sflag:s8], $0x4000  }
0xb3: {  	[sflag:s8] =	ssyncset.done $0x0  }
0xb4: {  	[sflag:s8] =	ssyncadd.s32 $0xFFFFC000  }
0xb5: {  	_ =	swait.ge [sflag:s9], $0x4000  }
0xb6: {  	[sflag:s9] =	ssyncset.done $0x0  }
0xb7: {  	[sflag:s9] =	ssyncadd.s32 $0xFFFFC000  }
0xb8: {  	_ =	swait.ge [sflag:s13], $0x4000  }
0xb9: {  	[sflag:s13] =	ssyncset.done $0x0  }
0xba: {  	[sflag:s13] =	ssyncadd.s32 $0xFFFFC000  }
0xbb: {  	[bflag:$0x0] =	sbarrier.arrive $0xFFFF  }
0xbc: {  	[tilespmem:s17], [sflag:$0xD] =	stream.linear.gather @!p0 [spmem:s22], $0x800, $0x38;
	[tilespmem:$0x10980] =	vst v63  }
0xbd: {  	s15 =	sadd.s32 $0x1, s15;
	_ =	swait.ge @!p0 [sflag:s16], $0x800  }
0xbe: {  	p1 =	sne.s32 s15, s28;
	[sflag:s16] =	ssyncset.done @!p0 $0x0  }
.Ltmp1:
0xbf: {  	s18 =	simm.s32 @!p0 $0x0;
	[sflag:s16] =	ssyncadd.s32 @!p0 $0xFFFFF800;
	(pc) =	sbr.rel @p1 .LBB2_1-.Ltmp1, $4  }
0xc0: {  	[hbm4b:s26+s18] =	stream.linear.scatter @!p0 [tilespmem:s17], [sflag:$0xD], $0x800, $0x38;
	[tilespmem:$0x10980] =	vst v63  }
0xc1: {  	_ =	swait.ge @!p0 [sflag:s16], $0x800  }
0xc2: {  	[sflag:s16] =	ssyncset.done @!p0 $0x0  }
0xc3: {  	[sflag:s16] =	ssyncadd.s32 @!p0 $0xFFFFF800  }
0xc4: {  	_ =	sfence.sel $0x180000  }
0xc5: {  	[bflag:$0x0] =	sbarrier.arrive $0xFFFF  }
0xc6: {  	_ =	strace $0x90000047  }
0xc7: {  	[bflag:$0x2] =	sbarrier.arrive $0xFFFF  }
0xc8: {  	s0 =	rddreg [dreg:$0xa]  }
0xc9: {  	s0 =	sadd.s32 @!p0 $0x100000, s0  }
0xca: {  	[sflag:s0] =	ssyncadd.tile.s32 @!p0 $0x1;
	_ =	shalt  }
.Lfunc_end2:
_tile_overlayer_lowered:
.L_overlay_start_2:
0xcb: {  	(tag) =	ssettag $0x2  }
0xcc: {  	s0 =	rddreg [dreg:$0x0];
	s2 =	stileid.u32  }
0xcd: {  	s1 =	rddreg [dreg:$0x1];
	p0 =	sne.s32 s2, $0x0  }
0xce: {  	s3 =	rddreg [dreg:$0x2];
	[bflag:$0x3] =	sbarrier.arrive $0xFFFF;
	s2 =	simm.s32 @!p0 $0x1C0D  }
0xcf: {  	[timem:s3], [sflag:s2] =	dma.local @!p0 [hbm:s0], s1  }
0xd0: {  	s0 =	simm.s32 @!p0 $0xD  }
0xd1: {  	_ =	swait.ge @!p0 [sflag:s0], s1  }
0xd2: {  	s1 =	ssub.s32 @!p0 $0x0, s1;
	[sflag:s0] =	ssyncset.done @!p0 $0x0  }
0xd3: {  	[sflag:s0] =	ssyncadd.s32 @!p0 s1  }
0xd4: {  	[bflag:$0x3] =	sbarrier.arrive $0xFFFF  }
0xd5: {  	_ =	shalt  }

</sc_bundles>
